<compile_context>
chip_gen: v7x
topology: tpu7x:2x2x1
jax: 0.10.2.dev20260603
libtpu: 0.0.44.dev20260713+nightly
codegen_flags: <defaults>
</compile_context>

<pallas_src>
import functools

import jax
import jax.numpy as jnp
from jax import lax
from jax.experimental import pallas as pl
from jax.experimental.pallas import tpu as pltpu
from jax.experimental.pallas import tpu_sc as plsc

_B, _T = 16, 20
_EMBED, _HIDDEN = 64, 256
_MEM_DIM, _HEADS, _TOPK = 64, 4, 8
_DH = _MEM_DIM // _HEADS
_C = 256
_BH = _B * _HEADS
_ROWS = _B * _MEM_DIM
_VOCAB = 100000
_VBLK = 10240
_NV = (_VOCAB + _VBLK - 1) // _VBLK


def _tc_kernel(emb_ref, wih_e_ref, wih_r_ref, whh_ref, bl_ref, wif_ref,
               bif_ref, beta_ref, wout_ref, bout_ref, out_ref, h3_ref,
               mem_ref, hb_ref):
    v = pl.program_id(0)

    @pl.when(v == 0)
    def _recurrence():
        wih_e = wih_e_ref[...]
        wih_r = wih_r_ref[...]
        whh = whh_ref[...]
        bl = bl_ref[...]
        wif = wif_ref[...]
        bif = bif_ref[...]
        br = beta_ref[0, 0]
        bw = beta_ref[0, 1]

        g_row = lax.broadcasted_iota(jnp.int32, (64, 64), 0) // _DH
        g_col = lax.broadcasted_iota(jnp.int32, (64, 64), 1) // _DH
        G = (g_row == g_col).astype(jnp.float32)

        s1 = (lax.broadcasted_iota(jnp.int32, (_ROWS, _B), 0) // _MEM_DIM
              == lax.broadcasted_iota(jnp.int32, (_ROWS, _B), 1)
              ).astype(jnp.float32)
        s1t = (lax.broadcasted_iota(jnp.int32, (_B, _ROWS), 0)
               == lax.broadcasted_iota(jnp.int32, (_B, _ROWS), 1) // _MEM_DIM
               ).astype(jnp.float32)
        mask64 = (lax.broadcasted_iota(jnp.int32, (_ROWS, _MEM_DIM), 0)
                  % _MEM_DIM
                  == lax.broadcasted_iota(jnp.int32, (_ROWS, _MEM_DIM), 1)
                  ).astype(jnp.float32)
        mask256 = (lax.broadcasted_iota(jnp.int32, (_ROWS, 4 * _MEM_DIM), 0)
                   % _MEM_DIM
                   == lax.broadcasted_iota(jnp.int32, (_ROWS, 4 * _MEM_DIM), 1)
                   % _MEM_DIM).astype(jnp.float32)
        sel4 = (lax.broadcasted_iota(jnp.int32, (4 * _MEM_DIM, 4), 0)
                // _MEM_DIM
                == lax.broadcasted_iota(jnp.int32, (4 * _MEM_DIM, 4), 1)
                ).astype(jnp.float32)
        s3t = (lax.broadcasted_iota(jnp.int32, (_ROWS, _BH), 0) // _DH
               == lax.broadcasted_iota(jnp.int32, (_ROWS, _BH), 1)
               ).astype(jnp.float32)
        s3 = (lax.broadcasted_iota(jnp.int32, (_BH, _ROWS), 0)
              == lax.broadcasted_iota(jnp.int32, (_BH, _ROWS), 1) // _DH
              ).astype(jnp.float32)

        def normalize(k):
            gs = jnp.dot(k * k, G, preferred_element_type=jnp.float32)
            return k / (jnp.sqrt(gs) + 1e-8)

        def cols_of(x):
            m = jnp.dot(s1, x, preferred_element_type=jnp.float32)
            return jnp.dot(m * mask256, sel4,
                           preferred_element_type=jnp.float32)

        def uncol(col):
            return jnp.dot(s1t, col * mask64,
                           preferred_element_type=jnp.float32)

        def expand_rows(x):
            return jnp.dot(s3t, x, preferred_element_type=jnp.float32)

        slot_iota2 = lax.broadcasted_iota(jnp.int32, (2 * _BH, _C), 1)

        def topk8(scores):
            s = scores
            tvs, tis = [], []
            for _ in range(_TOPK):
                m = jnp.max(s, axis=1, keepdims=True)
                sel = jnp.min(jnp.where(s == m, slot_iota2, _C),
                              axis=1, keepdims=True)
                tvs.append(m)
                tis.append(sel)
                s = jnp.where(slot_iota2 == sel, -jnp.inf, s)
            tv = jnp.concatenate(tvs, axis=1)
            ti = jnp.concatenate(tis, axis=1)
            e = jnp.exp(tv - tv[:, 0:1])
            w = e / jnp.sum(e, axis=1, keepdims=True)
            return w, ti

        def weight_map(w, ti):
            acc = jnp.zeros((2 * _BH, _C), jnp.float32)
            for k in range(_TOPK):
                acc = acc + jnp.where(slot_iota2 == ti[:, k:k + 1],
                                      w[:, k:k + 1], 0.0)
            return acc

        mem_ref[...] = jnp.full((_ROWS, _C), 1e-6, jnp.float32)
        h0 = jnp.zeros((_B, _HIDDEN), jnp.float32)
        c0 = jnp.zeros((_B, _HIDDEN), jnp.float32)
        r0 = jnp.zeros((_B, _MEM_DIM), jnp.float32)

        def step(t, carry):
            h, c, rv = carry
            mem = mem_ref[...]
            emb = emb_ref[pl.ds(pl.multiple_of(t * _B, _B), _B), :]
            gates = (jnp.dot(emb, wih_e, preferred_element_type=jnp.float32)
                     + jnp.dot(rv, wih_r, preferred_element_type=jnp.float32)
                     + jnp.dot(h, whh, preferred_element_type=jnp.float32)
                     + bl)
            i_g = jax.nn.sigmoid(gates[:, 0:256])
            f_g = jax.nn.sigmoid(gates[:, 256:512])
            g_g = jnp.tanh(gates[:, 512:768])
            o_g = jax.nn.sigmoid(gates[:, 768:1024])
            c_new = f_g * c + i_g * g_g
            h_new = o_g * jnp.tanh(c_new)
            iface = jnp.dot(h_new, wif, preferred_element_type=jnp.float32) + bif
            rk = iface[:, 0:64]
            wk = iface[:, 64:128]
            wv = iface[:, 128:192]
            er = jax.nn.sigmoid(iface[:, 192:256])

            knr = normalize(rk)
            knw = normalize(wk)
            cols = cols_of(jnp.concatenate([knr, knw, wv, er], axis=1))
            knr_col = cols[:, 0:1]
            knw_col = cols[:, 1:2]
            wv_col = cols[:, 2:3]
            er_col = cols[:, 3:4]

            n2 = jnp.dot(s3, mem * mem, preferred_element_type=jnp.float32)
            dr = jnp.dot(s3, mem * knr_col, preferred_element_type=jnp.float32)
            dw = jnp.dot(s3, mem * knw_col, preferred_element_type=jnp.float32)
            inv = 1.0 / (jnp.sqrt(n2) + 1e-8)
            inv2 = jnp.concatenate([inv, inv], axis=0)
            beta_col = jnp.where(
                lax.broadcasted_iota(jnp.int32, (2 * _BH, 1), 0) < _BH,
                br, bw)
            scores = (jnp.concatenate([dr, dw], axis=0) * inv2 * beta_col)

            w8, ti8 = topk8(scores)
            maps = weight_map(w8, ti8)
            y = jnp.dot(mem, maps[0:_BH].T, preferred_element_type=jnp.float32)
            rvec_col = jnp.sum(y * s3t, axis=1, keepdims=True)
            rv_new = uncol(rvec_col)

            wmap = expand_rows(maps[_BH:2 * _BH])
            mem_ref[...] = mem + wmap * (wv_col - mem * er_col)
            h3_ref[t] = h_new
            return (h_new, c_new, rv_new)

        lax.fori_loop(0, _T, step, (h0, c0, r0))

        hb_ref[...] = h3_ref[...].reshape(_T * _B, _HIDDEN).astype(
            jnp.bfloat16)

    out_ref[...] = (jnp.dot(hb_ref[...], wout_ref[...].astype(jnp.bfloat16),
                            preferred_element_type=jnp.float32)
                    + bout_ref[...])


_GPAD = 512


def _gather_embeddings(embedding, input_seq):
    info = plsc.get_sparse_core_info()
    nw = info.num_cores * info.num_subcores
    b_per_w = _GPAD // nw
    idx = input_seq.T.reshape(-1)
    idx_pad = jnp.concatenate(
        [idx, jnp.zeros((_GPAD - idx.shape[0],), jnp.int32)])

    @functools.partial(
        pl.kernel,
        out_type=jax.ShapeDtypeStruct((_GPAD, _EMBED), jnp.float32),
        mesh=plsc.VectorSubcoreMesh(core_axis_name="c", subcore_axis_name="s"),
        scratch_types=[
            pltpu.VMEM((b_per_w,), jnp.int32),
            pltpu.VMEM((b_per_w, _EMBED), jnp.float32),
            pltpu.SemaphoreType.DMA,
        ],
        compiler_params=pltpu.CompilerParams(use_tc_tiling_on_sc=False),
    )
    def gather_k(table_hbm, idx_hbm, out_hbm, idx_v, rows_v, sem):
        wid = lax.axis_index("s") * info.num_cores + lax.axis_index("c")
        base = wid * b_per_w
        pltpu.sync_copy(idx_hbm.at[pl.ds(base, b_per_w)], idx_v)
        pltpu.async_copy(table_hbm.at[idx_v], rows_v, sem).wait()
        pltpu.sync_copy(rows_v, out_hbm.at[pl.ds(base, b_per_w)])

    return gather_k(embedding, idx_pad)


def kernel(input_seq, embedding, W_ih, W_hh, b_lstm, W_iface, b_iface,
           W_out, b_out, beta_read, beta_write):
    emb_all = _gather_embeddings(embedding, input_seq)
    br = jnp.abs(beta_read) + 1e-6
    bw = jnp.abs(beta_write) + 1e-6
    betas = jnp.stack([br, bw]).reshape(1, 2).astype(jnp.float32)

    out = pl.pallas_call(
        _tc_kernel,
        grid=(_NV,),
        in_specs=[
            pl.BlockSpec((_GPAD, _EMBED), lambda v: (0, 0)),
            pl.BlockSpec((_EMBED, 4 * _HIDDEN), lambda v: (0, 0)),
            pl.BlockSpec((_MEM_DIM, 4 * _HIDDEN), lambda v: (0, 0)),
            pl.BlockSpec((_HIDDEN, 4 * _HIDDEN), lambda v: (0, 0)),
            pl.BlockSpec((1, 4 * _HIDDEN), lambda v: (0, 0)),
            pl.BlockSpec((_HIDDEN, _HIDDEN), lambda v: (0, 0)),
            pl.BlockSpec((1, _HIDDEN), lambda v: (0, 0)),
            pl.BlockSpec(memory_space=pltpu.SMEM),
            pl.BlockSpec((_HIDDEN, _VBLK), lambda v: (0, v)),
            pl.BlockSpec((1, _VBLK), lambda v: (0, v)),
        ],
        out_specs=pl.BlockSpec((_T * _B, _VBLK), lambda v: (0, v)),
        out_shape=jax.ShapeDtypeStruct((_T * _B, _VOCAB), jnp.float32),
        scratch_shapes=[pltpu.VMEM((_T, _B, _HIDDEN), jnp.float32),
                        pltpu.VMEM((_ROWS, _C), jnp.float32),
                        pltpu.VMEM((_T * _B, _HIDDEN), jnp.bfloat16)],
        compiler_params=pltpu.CompilerParams(
            vmem_limit_bytes=100 * 1024 * 1024),
    )(emb_all, W_ih[:_EMBED], W_ih[_EMBED:], W_hh, b_lstm.reshape(1, -1),
      W_iface, b_iface.reshape(1, -1), betas, W_out, b_out.reshape(1, -1))

    return out.reshape(_T, _B, _VOCAB).transpose(1, 0, 2)

# --- scband reference (transcript-rebuilt; emitter-appended) ---
"""Pipeline reference for scband-mem-net-12773232738429 (READ-ONLY COPY).

The authoritative reference and input builder live on the scoring server;
editing this copy changes nothing except your own understanding.
"""

import jax, jax.numpy as jnp
import numpy as np

B, T = 16, 20
VOCAB, EMBED, HIDDEN = 100000, 64, 256
MEM_SLOTS, MEM_DIM, HEADS, TOPK = 8192, 64, 4, 8
DH = MEM_DIM // HEADS


def setup_inputs(seed: int = 0):
    key = jax.random.key(seed)
    ks = jax.random.split(key, 10)
    s = 0.02
    return {
        'input_seq': jax.random.randint(ks[0], (B, T), 0, VOCAB, dtype=jnp.int32),
        'embedding': jax.random.normal(ks[1], (VOCAB, EMBED), dtype=jnp.float32) * s,
        'W_ih': jax.random.normal(ks[2], (EMBED + MEM_DIM, 4 * HIDDEN), dtype=jnp.float32) * s,
        'W_hh': jax.random.normal(ks[3], (HIDDEN, 4 * HIDDEN), dtype=jnp.float32) * s,
        'b_lstm': jnp.zeros((4 * HIDDEN,), dtype=jnp.float32),
        'W_iface': jax.random.normal(ks[4], (HIDDEN, 4 * MEM_DIM), dtype=jnp.float32) * s,
        'b_iface': jnp.zeros((4 * MEM_DIM,), dtype=jnp.float32),
        'W_out': jax.random.normal(ks[5], (HIDDEN, VOCAB), dtype=jnp.float32) * s,
        'b_out': jnp.zeros((VOCAB,), dtype=jnp.float32),
        'beta_read': jnp.array(1.0, dtype=jnp.float32),
        'beta_write': jnp.array(1.0, dtype=jnp.float32),
    }


def _forward(input_seq, embedding, W_ih, W_hh, b_lstm, W_iface, b_iface, W_out, b_out, beta_read, beta_write):
    Bx, Tx = input_seq.shape
    mem0 = jnp.full((Bx, HEADS, MEM_SLOTS, DH), 1e-6, dtype=jnp.float32)
    h0 = jnp.zeros((Bx, HIDDEN), dtype=jnp.float32)
    c0 = jnp.zeros((Bx, HIDDEN), dtype=jnp.float32)
    r0 = jnp.zeros((Bx, MEM_DIM), dtype=jnp.float32)
    # torch code converts betas via .item() -> constants w.r.t. autograd
    br = jax.lax.stop_gradient(jnp.abs(beta_read) + 1e-6)
    bw = jax.lax.stop_gradient(jnp.abs(beta_write) + 1e-6)

    def address(memory, mem_norm, keyv, beta):
        kn = keyv / (jnp.linalg.norm(keyv, axis=-1, keepdims=True) + 1e-8)
        scores = jnp.einsum('bhsd,bhd->bhs', memory, kn) / (mem_norm + 1e-8) * beta
        tv, ti = jax.lax.top_k(scores, TOPK)
        w = jax.nn.softmax(tv, axis=-1)
        return w, ti

    def step(carry, x_t):
        memory, h, c, rvec = carry
        emb = jnp.take(embedding, x_t, axis=0)
        inp = jnp.concatenate([emb, rvec], axis=-1)
        gates = inp @ W_ih + h @ W_hh + b_lstm
        i, f, g, o = jnp.split(gates, 4, axis=-1)
        c_new = jax.nn.sigmoid(f) * c + jax.nn.sigmoid(i) * jnp.tanh(g)
        h_new = jax.nn.sigmoid(o) * jnp.tanh(c_new)
        iface = h_new @ W_iface + b_iface
        rk, wk, wv, er = jnp.split(iface, 4, axis=-1)
        rk = rk.reshape(Bx, HEADS, DH)
        wk = wk.reshape(Bx, HEADS, DH)
        wv = wv.reshape(Bx, HEADS, DH)
        er = jax.nn.sigmoid(er).reshape(Bx, HEADS, DH)
        mem_norm = jnp.linalg.norm(memory, axis=-1)
        # sparse top-k read (before write, matching torch order)
        rw, ridx = address(memory, mem_norm, rk, br)
        rslots = jnp.take_along_axis(memory, ridx[..., None], axis=2)
        rvec_new = jnp.sum(rw[..., None] * rslots, axis=2).reshape(Bx, MEM_DIM)
        # sparse top-k erase/write via scatter
        ww, widx = address(memory, mem_norm, wk, bw)
        wslots = jnp.take_along_axis(memory, widx[..., None], axis=2)
        new_slots = wslots * (1.0 - ww[..., None] * er[:, :, None, :]) + ww[..., None] * wv[:, :, None, :]
        mem_flat = memory.reshape(Bx * HEADS, MEM_SLOTS, DH)
        idx_flat = widx.reshape(Bx * HEADS, TOPK)
        rows = jnp.arange(Bx * HEADS)[:, None]
        mem_flat = mem_flat.at[rows, idx_flat].set(new_slots.reshape(Bx * HEADS, TOPK, DH))
        memory_new = mem_flat.reshape(Bx, HEADS, MEM_SLOTS, DH)
        logits = h_new @ W_out + b_out
        return (memory_new, h_new, c_new, rvec_new), logits

    _, logits_seq = jax.lax.scan(step, (mem0, h0, c0, r0), input_seq.T)
    return jnp.transpose(logits_seq, (1, 0, 2))


def reference(input_seq, embedding, W_ih, W_hh, b_lstm, W_iface, b_iface, W_out, b_out, beta_read, beta_write):
    return _forward(input_seq, embedding, W_ih, W_hh, b_lstm, W_iface, b_iface, W_out, b_out, beta_read, beta_write)

if __name__ == "__main__":
    import jax
    _d = setup_inputs()
    print(jax.jit(kernel)(*tuple(_d.values())))

</pallas_src>

<mosaic_0001>
#map = affine_map<(d0, d1) -> (0, 0)>
#map1 = affine_map<(d0, d1) -> (0)>
module attributes {stable_mosaic.version = 14 : i64} {
  func.func @gather_k(%arg0: i32, %arg1: i32, %arg2: memref<100000x64xf32, #tpu.memory_space<hbm>>, %arg3: memref<512xi32, #tpu.memory_space<hbm>>, %arg4: memref<512x64xf32, #tpu.memory_space<hbm>>, %arg5: memref<16xi32, #tpu.memory_space<vmem>>, %arg6: memref<16x64xf32, #tpu.memory_space<vmem>>, %arg7: memref<!tpu.dma_semaphore, #tpu.memory_space<semaphore_mem>>) attributes {dimension_semantics = [#tpu.dimension_semantics<core_parallel>, #tpu.dimension_semantics<subcore_parallel>], iteration_bounds = array<i64: 2, 16>, scalar_prefetch = 0 : i64, scratch_operands = 3 : i64, tpu.core_type = #tpu.core_type<sc_vector_subcore>, window_params = [{transform_indices = #map}, {transform_indices = #map1}, {transform_indices = #map}]} {
    %mul3A = arith.constant 2 : i32
    %mul3A_0 = arith.muli %arg1, %mul3A : i32
    %add3A = arith.addi %mul3A_0, %arg0 : i32
    %mul3A_1 = arith.constant 16 : i32
    %mul3A_2 = arith.muli %add3A, %mul3A_1 : i32
    "tpu.region"() ({
      %run_scoped3A = tpu.sem_alloc : memref<!tpu.dma_semaphore, #tpu.memory_space<semaphore_mem>>
      %dma_start3A_7 = tpu.memref_slice %arg3[%mul3A_2] : memref<512xi32, #tpu.memory_space<hbm>> -> memref<16xi32, #tpu.memory_space<hbm>>
      %dma_start3A_8 = tpu.memref_slice %arg3[%mul3A_2] : memref<512xi32, #tpu.memory_space<hbm>> -> memref<16xi32, #tpu.memory_space<hbm>>
      tpu.enqueue_dma source(%dma_start3A_8 : memref<16xi32, #tpu.memory_space<hbm>>) target(%arg5 : memref<16xi32, #tpu.memory_space<vmem>>) target_semaphore(%run_scoped3A : memref<!tpu.dma_semaphore, #tpu.memory_space<semaphore_mem>>)
      %dma_wait3A_9 = tpu.memref_slice %arg3[%mul3A_2] : memref<512xi32, #tpu.memory_space<hbm>> -> memref<16xi32, #tpu.memory_space<hbm>>
      %dma_wait3A_10 = tpu.memref_slice %arg3[%mul3A_2] : memref<512xi32, #tpu.memory_space<hbm>> -> memref<16xi32, #tpu.memory_space<hbm>>
      tpu.wait_dma2 semaphore(%run_scoped3A : memref<!tpu.dma_semaphore, #tpu.memory_space<semaphore_mem>>) src(%dma_wait3A_10 : memref<16xi32, #tpu.memory_space<hbm>>) dst(%arg5 : memref<16xi32, #tpu.memory_space<vmem>>)
      tpu.yield
    }) : () -> ()
    %dma_start3A = arith.constant 0 : i32
    %dma_start3A_3 = arith.constant 0 : i32
    %dma_start3A_4 = tpu.memref_slice %arg2[%dma_start3A, %dma_start3A_3] : memref<100000x64xf32, #tpu.memory_space<hbm>> -> memref<100000x64xf32, #tpu.memory_space<hbm>>
    tpu.enqueue_indirect_dma source(%dma_start3A_4 : memref<100000x64xf32, #tpu.memory_space<hbm>>) target(%arg6 : memref<16x64xf32, #tpu.memory_space<vmem>>) offsets(%arg5 : memref<16xi32, #tpu.memory_space<vmem>>) semaphore(%arg7 : memref<!tpu.dma_semaphore, #tpu.memory_space<semaphore_mem>>)
    %dma_wait3A = arith.constant 0 : i32
    %dma_wait3A_5 = arith.constant 0 : i32
    %dma_wait3A_6 = tpu.memref_slice %arg2[%dma_wait3A, %dma_wait3A_5] : memref<100000x64xf32, #tpu.memory_space<hbm>> -> memref<100000x64xf32, #tpu.memory_space<hbm>>
    tpu.wait_indirect_dma semaphore(%arg7 : memref<!tpu.dma_semaphore, #tpu.memory_space<semaphore_mem>>) src(%dma_wait3A_6 : memref<100000x64xf32, #tpu.memory_space<hbm>>) dst(%arg6 : memref<16x64xf32, #tpu.memory_space<vmem>>)
    "tpu.region"() ({
      %run_scoped3A = tpu.sem_alloc : memref<!tpu.dma_semaphore, #tpu.memory_space<semaphore_mem>>
      %dma_start3A_7 = arith.constant 0 : i32
      %dma_start3A_8 = tpu.memref_slice %arg4[%mul3A_2, %dma_start3A_7] : memref<512x64xf32, #tpu.memory_space<hbm>> -> memref<16x64xf32, #tpu.memory_space<hbm>>
      %dma_start3A_9 = arith.constant 0 : i32
      %dma_start3A_10 = tpu.memref_slice %arg4[%mul3A_2, %dma_start3A_9] : memref<512x64xf32, #tpu.memory_space<hbm>> -> memref<16x64xf32, #tpu.memory_space<hbm>>
      tpu.enqueue_dma source(%arg6 : memref<16x64xf32, #tpu.memory_space<vmem>>) target(%dma_start3A_10 : memref<16x64xf32, #tpu.memory_space<hbm>>) target_semaphore(%run_scoped3A : memref<!tpu.dma_semaphore, #tpu.memory_space<semaphore_mem>>)
      %dma_wait3A_11 = arith.constant 0 : i32
      %dma_wait3A_12 = tpu.memref_slice %arg4[%mul3A_2, %dma_wait3A_11] : memref<512x64xf32, #tpu.memory_space<hbm>> -> memref<16x64xf32, #tpu.memory_space<hbm>>
      %dma_wait3A_13 = arith.constant 0 : i32
      %dma_wait3A_14 = tpu.memref_slice %arg4[%mul3A_2, %dma_wait3A_13] : memref<512x64xf32, #tpu.memory_space<hbm>> -> memref<16x64xf32, #tpu.memory_space<hbm>>
      tpu.wait_dma2 semaphore(%run_scoped3A : memref<!tpu.dma_semaphore, #tpu.memory_space<semaphore_mem>>) src(%arg6 : memref<16x64xf32, #tpu.memory_space<vmem>>) dst(%dma_wait3A_14 : memref<16x64xf32, #tpu.memory_space<hbm>>)
      tpu.yield
    }) : () -> ()
    return
  }
}

module attributes {stable_mosaic.version = 14 : i64} {
  func.func @_tc_kernel(%arg0: i32, %arg1: memref<512x64xf32, #tpu.memory_space<vmem>>, %arg2: memref<64x1024xf32, #tpu.memory_space<vmem>>, %arg3: memref<64x1024xf32, #tpu.memory_space<vmem>>, %arg4: memref<256x1024xf32, #tpu.memory_space<vmem>>, %arg5: memref<1x1024xf32, #tpu.memory_space<vmem>>, %arg6: memref<256x256xf32, #tpu.memory_space<vmem>>, %arg7: memref<1x256xf32, #tpu.memory_space<vmem>>, %arg8: memref<1x2xf32, #tpu.memory_space<smem>>, %arg9: memref<256x10240xf32, #tpu.memory_space<vmem>>, %arg10: memref<1x10240xf32, #tpu.memory_space<vmem>>, %arg11: memref<320x10240xf32, #tpu.memory_space<vmem>>, %arg12: memref<20x16x256xf32, #tpu.memory_space<vmem>>, %arg13: memref<1024x256xf32, #tpu.memory_space<vmem>>, %arg14: memref<320x256xbf16, #tpu.memory_space<vmem>>) attributes {dimension_semantics = [#tpu.dimension_semantics<arbitrary>], iteration_bounds = array<i64: 10>, scalar_prefetch = 0 : i64, scratch_operands = 3 : i64, tpu.core_type = #tpu.core_type<tc>, window_params = [{pipeline_mode = #tpu.pipeline_mode<synchronous>, transform_indices = @transform_0, window_bounds = array<i64: 512, 64>}, {pipeline_mode = #tpu.pipeline_mode<synchronous>, transform_indices = @transform_1, window_bounds = array<i64: 64, 1024>}, {pipeline_mode = #tpu.pipeline_mode<synchronous>, transform_indices = @transform_2, window_bounds = array<i64: 64, 1024>}, {pipeline_mode = #tpu.pipeline_mode<synchronous>, transform_indices = @transform_3, window_bounds = array<i64: 256, 1024>}, {pipeline_mode = #tpu.pipeline_mode<synchronous>, transform_indices = @transform_4, window_bounds = array<i64: 1, 1024>}, {pipeline_mode = #tpu.pipeline_mode<synchronous>, transform_indices = @transform_5, window_bounds = array<i64: 256, 256>}, {pipeline_mode = #tpu.pipeline_mode<synchronous>, transform_indices = @transform_6, window_bounds = array<i64: 1, 256>}, {transform_indices = @transform_7, window_bounds = array<i64: 1, 2>}, {transform_indices = @transform_8, window_bounds = array<i64: 256, 10240>}, {transform_indices = @transform_9, window_bounds = array<i64: 1, 10240>}, {transform_indices = @transform_10, window_bounds = array<i64: 320, 10240>}]} {
    %eq3A = arith.constant 0 : i32
    %eq3A_0 = arith.cmpi eq, %arg0, %eq3A : i32
    %convert_element_type3A = arith.extui %eq3A_0 : i1 to i32
    %cond3A = arith.constant 0 : i32
    %cond3A_1 = arith.cmpi ne, %convert_element_type3A, %cond3A : i32
    scf.if %cond3A_1 {
      %get3A_15 = arith.constant 0 : index
      %get3A_16 = arith.constant 0 : index
      %get3A_17 = vector.load %arg2[%get3A_15, %get3A_16] : memref<64x1024xf32, #tpu.memory_space<vmem>>, vector<64x1024xf32>
      %get3A_18 = arith.constant 0 : index
      %get3A_19 = arith.constant 0 : index
      %get3A_20 = vector.load %arg3[%get3A_18, %get3A_19] : memref<64x1024xf32, #tpu.memory_space<vmem>>, vector<64x1024xf32>
      %get3A_21 = arith.constant 0 : index
      %get3A_22 = arith.constant 0 : index
      %get3A_23 = vector.load %arg4[%get3A_21, %get3A_22] : memref<256x1024xf32, #tpu.memory_space<vmem>>, vector<256x1024xf32>
      %get3A_24 = arith.constant 0 : index
      %get3A_25 = arith.constant 0 : index
      %get3A_26 = vector.load %arg5[%get3A_24, %get3A_25] : memref<1x1024xf32, #tpu.memory_space<vmem>>, vector<1x1024xf32>
      %get3A_27 = arith.constant 0 : index
      %get3A_28 = arith.constant 0 : index
      %get3A_29 = vector.load %arg6[%get3A_27, %get3A_28] : memref<256x256xf32, #tpu.memory_space<vmem>>, vector<256x256xf32>
      %get3A_30 = arith.constant 0 : index
      %get3A_31 = arith.constant 0 : index
      %get3A_32 = vector.load %arg7[%get3A_30, %get3A_31] : memref<1x256xf32, #tpu.memory_space<vmem>>, vector<1x256xf32>
      %get3A_33 = arith.constant 0 : index
      %get3A_34 = arith.constant 0 : index
      %get3A_35 = memref.load %arg8[%get3A_33, %get3A_34] : memref<1x2xf32, #tpu.memory_space<smem>>
      %get3A_36 = arith.constant 0 : index
      %get3A_37 = arith.constant 1 : index
      %get3A_38 = memref.load %arg8[%get3A_36, %get3A_37] : memref<1x2xf32, #tpu.memory_space<smem>>
      %iota3A = tpu.iota {dimensions = array<i32: 0>} : vector<64x64xi32>
      %jit3A = arith.constant 16 : i32
      %div3A = vector.broadcast %jit3A : i32 to vector<64x64xi32>
      %div3A_39 = arith.divsi %iota3A, %div3A : vector<64x64xi32>
      %sign3A = arith.constant 0 : i32
      %sign3A_40 = vector.broadcast %sign3A : i32 to vector<64x64xi32>
      %sign3A_41 = arith.cmpi sgt, %iota3A, %sign3A_40 : vector<64x64xi32>
      %sign3A_42 = arith.extui %sign3A_41 : vector<64x64xi1> to vector<64x64xi32>
      %sign3A_43 = arith.constant 0 : i32
      %sign3A_44 = vector.broadcast %sign3A_43 : i32 to vector<64x64xi32>
      %sign3A_45 = arith.cmpi slt, %iota3A, %sign3A_44 : vector<64x64xi32>
      %sign3A_46 = arith.extui %sign3A_45 : vector<64x64xi1> to vector<64x64xi32>
      %sign3A_47 = arith.subi %sign3A_42, %sign3A_46 : vector<64x64xi32>
      %sign3A_48 = arith.constant 0 : i32
      %sign3A_49 = arith.cmpi sgt, %jit3A, %sign3A_48 : i32
      %sign3A_50 = arith.extui %sign3A_49 : i1 to i32
      %sign3A_51 = arith.constant 0 : i32
      %sign3A_52 = arith.cmpi slt, %jit3A, %sign3A_51 : i32
      %sign3A_53 = arith.extui %sign3A_52 : i1 to i32
      %sign3A_54 = arith.subi %sign3A_50, %sign3A_53 : i32
      %ne3A = vector.broadcast %sign3A_54 : i32 to vector<64x64xi32>
      %ne3A_55 = arith.cmpi ne, %sign3A_47, %ne3A : vector<64x64xi32>
      %rem3A = vector.broadcast %jit3A : i32 to vector<64x64xi32>
      %rem3A_56 = arith.remsi %iota3A, %rem3A : vector<64x64xi32>
      %ne3A_57 = arith.constant 0 : i32
      %ne3A_58 = vector.broadcast %ne3A_57 : i32 to vector<64x64xi32>
      %ne3A_59 = arith.cmpi ne, %rem3A_56, %ne3A_58 : vector<64x64xi32>
      %and3A = arith.andi %ne3A_55, %ne3A_59 : vector<64x64xi1>
      %sub3A = arith.constant 1 : i32
      %sub3A_60 = vector.broadcast %sub3A : i32 to vector<64x64xi32>
      %sub3A_61 = arith.subi %div3A_39, %sub3A_60 : vector<64x64xi32>
      %select_n3A = arith.select %and3A, %sub3A_61, %div3A_39 : vector<64x64xi1>, vector<64x64xi32>
      %iota3A_62 = tpu.iota {dimensions = array<i32: 1>} : vector<64x64xi32>
      %jit3A_63 = arith.constant 16 : i32
      %div3A_64 = vector.broadcast %jit3A_63 : i32 to vector<64x64xi32>
      %div3A_65 = arith.divsi %iota3A_62, %div3A_64 : vector<64x64xi32>
      %sign3A_66 = arith.constant 0 : i32
      %sign3A_67 = vector.broadcast %sign3A_66 : i32 to vector<64x64xi32>
      %sign3A_68 = arith.cmpi sgt, %iota3A_62, %sign3A_67 : vector<64x64xi32>
      %sign3A_69 = arith.extui %sign3A_68 : vector<64x64xi1> to vector<64x64xi32>
      %sign3A_70 = arith.constant 0 : i32
      %sign3A_71 = vector.broadcast %sign3A_70 : i32 to vector<64x64xi32>
      %sign3A_72 = arith.cmpi slt, %iota3A_62, %sign3A_71 : vector<64x64xi32>
      %sign3A_73 = arith.extui %sign3A_72 : vector<64x64xi1> to vector<64x64xi32>
      %sign3A_74 = arith.subi %sign3A_69, %sign3A_73 : vector<64x64xi32>
      %sign3A_75 = arith.constant 0 : i32
      %sign3A_76 = arith.cmpi sgt, %jit3A_63, %sign3A_75 : i32
      %sign3A_77 = arith.extui %sign3A_76 : i1 to i32
      %sign3A_78 = arith.constant 0 : i32
      %sign3A_79 = arith.cmpi slt, %jit3A_63, %sign3A_78 : i32
      %sign3A_80 = arith.extui %sign3A_79 : i1 to i32
      %sign3A_81 = arith.subi %sign3A_77, %sign3A_80 : i32
      %ne3A_82 = vector.broadcast %sign3A_81 : i32 to vector<64x64xi32>
      %ne3A_83 = arith.cmpi ne, %sign3A_74, %ne3A_82 : vector<64x64xi32>
      %rem3A_84 = vector.broadcast %jit3A_63 : i32 to vector<64x64xi32>
      %rem3A_85 = arith.remsi %iota3A_62, %rem3A_84 : vector<64x64xi32>
      %ne3A_86 = arith.constant 0 : i32
      %ne3A_87 = vector.broadcast %ne3A_86 : i32 to vector<64x64xi32>
      %ne3A_88 = arith.cmpi ne, %rem3A_85, %ne3A_87 : vector<64x64xi32>
      %and3A_89 = arith.andi %ne3A_83, %ne3A_88 : vector<64x64xi1>
      %sub3A_90 = arith.constant 1 : i32
      %sub3A_91 = vector.broadcast %sub3A_90 : i32 to vector<64x64xi32>
      %sub3A_92 = arith.subi %div3A_65, %sub3A_91 : vector<64x64xi32>
      %select_n3A_93 = arith.select %and3A_89, %sub3A_92, %div3A_65 : vector<64x64xi1>, vector<64x64xi32>
      %eq3A_94 = arith.cmpi eq, %select_n3A, %select_n3A_93 : vector<64x64xi32>
      %convert_element_type3A_95 = arith.extui %eq3A_94 : vector<64x64xi1> to vector<64x64xi32>
      %convert_element_type3A_96 = arith.sitofp %convert_element_type3A_95 : vector<64x64xi32> to vector<64x64xf32>
      %iota3A_97 = tpu.iota {dimensions = array<i32: 0>} : vector<1024x16xi32>
      %jit3A_98 = arith.constant 64 : i32
      %div3A_99 = vector.broadcast %jit3A_98 : i32 to vector<1024x16xi32>
      %div3A_100 = arith.divsi %iota3A_97, %div3A_99 : vector<1024x16xi32>
      %sign3A_101 = arith.constant 0 : i32
      %sign3A_102 = vector.broadcast %sign3A_101 : i32 to vector<1024x16xi32>
      %sign3A_103 = arith.cmpi sgt, %iota3A_97, %sign3A_102 : vector<1024x16xi32>
      %sign3A_104 = arith.extui %sign3A_103 : vector<1024x16xi1> to vector<1024x16xi32>
      %sign3A_105 = arith.constant 0 : i32
      %sign3A_106 = vector.broadcast %sign3A_105 : i32 to vector<1024x16xi32>
      %sign3A_107 = arith.cmpi slt, %iota3A_97, %sign3A_106 : vector<1024x16xi32>
      %sign3A_108 = arith.extui %sign3A_107 : vector<1024x16xi1> to vector<1024x16xi32>
      %sign3A_109 = arith.subi %sign3A_104, %sign3A_108 : vector<1024x16xi32>
      %sign3A_110 = arith.constant 0 : i32
      %sign3A_111 = arith.cmpi sgt, %jit3A_98, %sign3A_110 : i32
      %sign3A_112 = arith.extui %sign3A_111 : i1 to i32
      %sign3A_113 = arith.constant 0 : i32
      %sign3A_114 = arith.cmpi slt, %jit3A_98, %sign3A_113 : i32
      %sign3A_115 = arith.extui %sign3A_114 : i1 to i32
      %sign3A_116 = arith.subi %sign3A_112, %sign3A_115 : i32
      %ne3A_117 = vector.broadcast %sign3A_116 : i32 to vector<1024x16xi32>
      %ne3A_118 = arith.cmpi ne, %sign3A_109, %ne3A_117 : vector<1024x16xi32>
      %rem3A_119 = vector.broadcast %jit3A_98 : i32 to vector<1024x16xi32>
      %rem3A_120 = arith.remsi %iota3A_97, %rem3A_119 : vector<1024x16xi32>
      %ne3A_121 = arith.constant 0 : i32
      %ne3A_122 = vector.broadcast %ne3A_121 : i32 to vector<1024x16xi32>
      %ne3A_123 = arith.cmpi ne, %rem3A_120, %ne3A_122 : vector<1024x16xi32>
      %and3A_124 = arith.andi %ne3A_118, %ne3A_123 : vector<1024x16xi1>
      %sub3A_125 = arith.constant 1 : i32
      %sub3A_126 = vector.broadcast %sub3A_125 : i32 to vector<1024x16xi32>
      %sub3A_127 = arith.subi %div3A_100, %sub3A_126 : vector<1024x16xi32>
      %select_n3A_128 = arith.select %and3A_124, %sub3A_127, %div3A_100 : vector<1024x16xi1>, vector<1024x16xi32>
      %iota3A_129 = tpu.iota {dimensions = array<i32: 1>} : vector<1024x16xi32>
      %eq3A_130 = arith.cmpi eq, %select_n3A_128, %iota3A_129 : vector<1024x16xi32>
      %convert_element_type3A_131 = arith.extui %eq3A_130 : vector<1024x16xi1> to vector<1024x16xi32>
      %convert_element_type3A_132 = arith.sitofp %convert_element_type3A_131 : vector<1024x16xi32> to vector<1024x16xf32>
      %iota3A_133 = tpu.iota {dimensions = array<i32: 0>} : vector<16x1024xi32>
      %iota3A_134 = tpu.iota {dimensions = array<i32: 1>} : vector<16x1024xi32>
      %jit3A_135 = arith.constant 64 : i32
      %div3A_136 = vector.broadcast %jit3A_135 : i32 to vector<16x1024xi32>
      %div3A_137 = arith.divsi %iota3A_134, %div3A_136 : vector<16x1024xi32>
      %sign3A_138 = arith.constant 0 : i32
      %sign3A_139 = vector.broadcast %sign3A_138 : i32 to vector<16x1024xi32>
      %sign3A_140 = arith.cmpi sgt, %iota3A_134, %sign3A_139 : vector<16x1024xi32>
      %sign3A_141 = arith.extui %sign3A_140 : vector<16x1024xi1> to vector<16x1024xi32>
      %sign3A_142 = arith.constant 0 : i32
      %sign3A_143 = vector.broadcast %sign3A_142 : i32 to vector<16x1024xi32>
      %sign3A_144 = arith.cmpi slt, %iota3A_134, %sign3A_143 : vector<16x1024xi32>
      %sign3A_145 = arith.extui %sign3A_144 : vector<16x1024xi1> to vector<16x1024xi32>
      %sign3A_146 = arith.subi %sign3A_141, %sign3A_145 : vector<16x1024xi32>
      %sign3A_147 = arith.constant 0 : i32
      %sign3A_148 = arith.cmpi sgt, %jit3A_135, %sign3A_147 : i32
      %sign3A_149 = arith.extui %sign3A_148 : i1 to i32
      %sign3A_150 = arith.constant 0 : i32
      %sign3A_151 = arith.cmpi slt, %jit3A_135, %sign3A_150 : i32
      %sign3A_152 = arith.extui %sign3A_151 : i1 to i32
      %sign3A_153 = arith.subi %sign3A_149, %sign3A_152 : i32
      %ne3A_154 = vector.broadcast %sign3A_153 : i32 to vector<16x1024xi32>
      %ne3A_155 = arith.cmpi ne, %sign3A_146, %ne3A_154 : vector<16x1024xi32>
      %rem3A_156 = vector.broadcast %jit3A_135 : i32 to vector<16x1024xi32>
      %rem3A_157 = arith.remsi %iota3A_134, %rem3A_156 : vector<16x1024xi32>
      %ne3A_158 = arith.constant 0 : i32
      %ne3A_159 = vector.broadcast %ne3A_158 : i32 to vector<16x1024xi32>
      %ne3A_160 = arith.cmpi ne, %rem3A_157, %ne3A_159 : vector<16x1024xi32>
      %and3A_161 = arith.andi %ne3A_155, %ne3A_160 : vector<16x1024xi1>
      %sub3A_162 = arith.constant 1 : i32
      %sub3A_163 = vector.broadcast %sub3A_162 : i32 to vector<16x1024xi32>
      %sub3A_164 = arith.subi %div3A_137, %sub3A_163 : vector<16x1024xi32>
      %select_n3A_165 = arith.select %and3A_161, %sub3A_164, %div3A_137 : vector<16x1024xi1>, vector<16x1024xi32>
      %eq3A_166 = arith.cmpi eq, %iota3A_133, %select_n3A_165 : vector<16x1024xi32>
      %convert_element_type3A_167 = arith.extui %eq3A_166 : vector<16x1024xi1> to vector<16x1024xi32>
      %convert_element_type3A_168 = arith.sitofp %convert_element_type3A_167 : vector<16x1024xi32> to vector<16x1024xf32>
      %iota3A_169 = tpu.iota {dimensions = array<i32: 0>} : vector<1024x64xi32>
      %jit3A_170 = arith.constant 64 : i32
      %eq3A_171 = arith.constant 0 : i32
      %eq3A_172 = arith.cmpi eq, %jit3A_170, %eq3A_171 : i32
      %jit3A_173 = arith.constant 1 : i32
      %select_n3A_174 = arith.select %eq3A_172, %jit3A_173, %jit3A_170 : i32
      %rem3A_175 = vector.broadcast %select_n3A_174 : i32 to vector<1024x64xi32>
      %rem3A_176 = arith.remsi %iota3A_169, %rem3A_175 : vector<1024x64xi32>
      %ne3A_177 = arith.constant 0 : i32
      %ne3A_178 = vector.broadcast %ne3A_177 : i32 to vector<1024x64xi32>
      %ne3A_179 = arith.cmpi ne, %rem3A_176, %ne3A_178 : vector<1024x64xi32>
      %lt3A = arith.constant 0 : i32
      %lt3A_180 = vector.broadcast %lt3A : i32 to vector<1024x64xi32>
      %lt3A_181 = arith.cmpi slt, %rem3A_176, %lt3A_180 : vector<1024x64xi32>
      %lt3A_182 = arith.constant 0 : i32
      %lt3A_183 = arith.cmpi slt, %select_n3A_174, %lt3A_182 : i32
      %ne3A_184 = vector.broadcast %lt3A_183 : i1 to vector<1024x64xi1>
      %ne3A_185 = vector.broadcast %ne3A_184 : vector<1024x64xi1> to vector<1024x64xi1>
      %ne3A_186 = arith.xori %lt3A_181, %ne3A_185 : vector<1024x64xi1>
      %and3A_187 = arith.andi %ne3A_186, %ne3A_179 : vector<1024x64xi1>
      %add3A_188 = vector.broadcast %select_n3A_174 : i32 to vector<1024x64xi32>
      %add3A_189 = arith.addi %rem3A_176, %add3A_188 : vector<1024x64xi32>
      %select_n3A_190 = arith.select %and3A_187, %add3A_189, %rem3A_176 : vector<1024x64xi1>, vector<1024x64xi32>
      %iota3A_191 = tpu.iota {dimensions = array<i32: 1>} : vector<1024x64xi32>
      %eq3A_192 = arith.cmpi eq, %select_n3A_190, %iota3A_191 : vector<1024x64xi32>
      %convert_element_type3A_193 = arith.extui %eq3A_192 : vector<1024x64xi1> to vector<1024x64xi32>
      %convert_element_type3A_194 = arith.sitofp %convert_element_type3A_193 : vector<1024x64xi32> to vector<1024x64xf32>
      %iota3A_195 = tpu.iota {dimensions = array<i32: 0>} : vector<1024x256xi32>
      %jit3A_196 = arith.constant 64 : i32
      %eq3A_197 = arith.constant 0 : i32
      %eq3A_198 = arith.cmpi eq, %jit3A_196, %eq3A_197 : i32
      %jit3A_199 = arith.constant 1 : i32
      %select_n3A_200 = arith.select %eq3A_198, %jit3A_199, %jit3A_196 : i32
      %rem3A_201 = vector.broadcast %select_n3A_200 : i32 to vector<1024x256xi32>
      %rem3A_202 = arith.remsi %iota3A_195, %rem3A_201 : vector<1024x256xi32>
      %ne3A_203 = arith.constant 0 : i32
      %ne3A_204 = vector.broadcast %ne3A_203 : i32 to vector<1024x256xi32>
      %ne3A_205 = arith.cmpi ne, %rem3A_202, %ne3A_204 : vector<1024x256xi32>
      %lt3A_206 = arith.constant 0 : i32
      %lt3A_207 = vector.broadcast %lt3A_206 : i32 to vector<1024x256xi32>
      %lt3A_208 = arith.cmpi slt, %rem3A_202, %lt3A_207 : vector<1024x256xi32>
      %lt3A_209 = arith.constant 0 : i32
      %lt3A_210 = arith.cmpi slt, %select_n3A_200, %lt3A_209 : i32
      %ne3A_211 = vector.broadcast %lt3A_210 : i1 to vector<1024x256xi1>
      %ne3A_212 = vector.broadcast %ne3A_211 : vector<1024x256xi1> to vector<1024x256xi1>
      %ne3A_213 = arith.xori %lt3A_208, %ne3A_212 : vector<1024x256xi1>
      %and3A_214 = arith.andi %ne3A_213, %ne3A_205 : vector<1024x256xi1>
      %add3A_215 = vector.broadcast %select_n3A_200 : i32 to vector<1024x256xi32>
      %add3A_216 = arith.addi %rem3A_202, %add3A_215 : vector<1024x256xi32>
      %select_n3A_217 = arith.select %and3A_214, %add3A_216, %rem3A_202 : vector<1024x256xi1>, vector<1024x256xi32>
      %iota3A_218 = tpu.iota {dimensions = array<i32: 1>} : vector<1024x256xi32>
      %jit3A_219 = arith.constant 64 : i32
      %eq3A_220 = arith.constant 0 : i32
      %eq3A_221 = arith.cmpi eq, %jit3A_219, %eq3A_220 : i32
      %jit3A_222 = arith.constant 1 : i32
      %select_n3A_223 = arith.select %eq3A_221, %jit3A_222, %jit3A_219 : i32
      %rem3A_224 = vector.broadcast %select_n3A_223 : i32 to vector<1024x256xi32>
      %rem3A_225 = arith.remsi %iota3A_218, %rem3A_224 : vector<1024x256xi32>
      %ne3A_226 = arith.constant 0 : i32
      %ne3A_227 = vector.broadcast %ne3A_226 : i32 to vector<1024x256xi32>
      %ne3A_228 = arith.cmpi ne, %rem3A_225, %ne3A_227 : vector<1024x256xi32>
      %lt3A_229 = arith.constant 0 : i32
      %lt3A_230 = vector.broadcast %lt3A_229 : i32 to vector<1024x256xi32>
      %lt3A_231 = arith.cmpi slt, %rem3A_225, %lt3A_230 : vector<1024x256xi32>
      %lt3A_232 = arith.constant 0 : i32
      %lt3A_233 = arith.cmpi slt, %select_n3A_223, %lt3A_232 : i32
      %ne3A_234 = vector.broadcast %lt3A_233 : i1 to vector<1024x256xi1>
      %ne3A_235 = vector.broadcast %ne3A_234 : vector<1024x256xi1> to vector<1024x256xi1>
      %ne3A_236 = arith.xori %lt3A_231, %ne3A_235 : vector<1024x256xi1>
      %and3A_237 = arith.andi %ne3A_236, %ne3A_228 : vector<1024x256xi1>
      %add3A_238 = vector.broadcast %select_n3A_223 : i32 to vector<1024x256xi32>
      %add3A_239 = arith.addi %rem3A_225, %add3A_238 : vector<1024x256xi32>
      %select_n3A_240 = arith.select %and3A_237, %add3A_239, %rem3A_225 : vector<1024x256xi1>, vector<1024x256xi32>
      %eq3A_241 = arith.cmpi eq, %select_n3A_217, %select_n3A_240 : vector<1024x256xi32>
      %convert_element_type3A_242 = arith.extui %eq3A_241 : vector<1024x256xi1> to vector<1024x256xi32>
      %convert_element_type3A_243 = arith.sitofp %convert_element_type3A_242 : vector<1024x256xi32> to vector<1024x256xf32>
      %iota3A_244 = tpu.iota {dimensions = array<i32: 0>} : vector<256x4xi32>
      %jit3A_245 = arith.constant 64 : i32
      %div3A_246 = vector.broadcast %jit3A_245 : i32 to vector<256x4xi32>
      %div3A_247 = arith.divsi %iota3A_244, %div3A_246 : vector<256x4xi32>
      %sign3A_248 = arith.constant 0 : i32
      %sign3A_249 = vector.broadcast %sign3A_248 : i32 to vector<256x4xi32>
      %sign3A_250 = arith.cmpi sgt, %iota3A_244, %sign3A_249 : vector<256x4xi32>
      %sign3A_251 = arith.extui %sign3A_250 : vector<256x4xi1> to vector<256x4xi32>
      %sign3A_252 = arith.constant 0 : i32
      %sign3A_253 = vector.broadcast %sign3A_252 : i32 to vector<256x4xi32>
      %sign3A_254 = arith.cmpi slt, %iota3A_244, %sign3A_253 : vector<256x4xi32>
      %sign3A_255 = arith.extui %sign3A_254 : vector<256x4xi1> to vector<256x4xi32>
      %sign3A_256 = arith.subi %sign3A_251, %sign3A_255 : vector<256x4xi32>
      %sign3A_257 = arith.constant 0 : i32
      %sign3A_258 = arith.cmpi sgt, %jit3A_245, %sign3A_257 : i32
      %sign3A_259 = arith.extui %sign3A_258 : i1 to i32
      %sign3A_260 = arith.constant 0 : i32
      %sign3A_261 = arith.cmpi slt, %jit3A_245, %sign3A_260 : i32
      %sign3A_262 = arith.extui %sign3A_261 : i1 to i32
      %sign3A_263 = arith.subi %sign3A_259, %sign3A_262 : i32
      %ne3A_264 = vector.broadcast %sign3A_263 : i32 to vector<256x4xi32>
      %ne3A_265 = arith.cmpi ne, %sign3A_256, %ne3A_264 : vector<256x4xi32>
      %rem3A_266 = vector.broadcast %jit3A_245 : i32 to vector<256x4xi32>
      %rem3A_267 = arith.remsi %iota3A_244, %rem3A_266 : vector<256x4xi32>
      %ne3A_268 = arith.constant 0 : i32
      %ne3A_269 = vector.broadcast %ne3A_268 : i32 to vector<256x4xi32>
      %ne3A_270 = arith.cmpi ne, %rem3A_267, %ne3A_269 : vector<256x4xi32>
      %and3A_271 = arith.andi %ne3A_265, %ne3A_270 : vector<256x4xi1>
      %sub3A_272 = arith.constant 1 : i32
      %sub3A_273 = vector.broadcast %sub3A_272 : i32 to vector<256x4xi32>
      %sub3A_274 = arith.subi %div3A_247, %sub3A_273 : vector<256x4xi32>
      %select_n3A_275 = arith.select %and3A_271, %sub3A_274, %div3A_247 : vector<256x4xi1>, vector<256x4xi32>
      %iota3A_276 = tpu.iota {dimensions = array<i32: 1>} : vector<256x4xi32>
      %eq3A_277 = arith.cmpi eq, %select_n3A_275, %iota3A_276 : vector<256x4xi32>
      %convert_element_type3A_278 = arith.extui %eq3A_277 : vector<256x4xi1> to vector<256x4xi32>
      %convert_element_type3A_279 = arith.sitofp %convert_element_type3A_278 : vector<256x4xi32> to vector<256x4xf32>
      %iota3A_280 = tpu.iota {dimensions = array<i32: 0>} : vector<1024x64xi32>
      %jit3A_281 = arith.constant 16 : i32
      %div3A_282 = vector.broadcast %jit3A_281 : i32 to vector<1024x64xi32>
      %div3A_283 = arith.divsi %iota3A_280, %div3A_282 : vector<1024x64xi32>
      %sign3A_284 = arith.constant 0 : i32
      %sign3A_285 = vector.broadcast %sign3A_284 : i32 to vector<1024x64xi32>
      %sign3A_286 = arith.cmpi sgt, %iota3A_280, %sign3A_285 : vector<1024x64xi32>
      %sign3A_287 = arith.extui %sign3A_286 : vector<1024x64xi1> to vector<1024x64xi32>
      %sign3A_288 = arith.constant 0 : i32
      %sign3A_289 = vector.broadcast %sign3A_288 : i32 to vector<1024x64xi32>
      %sign3A_290 = arith.cmpi slt, %iota3A_280, %sign3A_289 : vector<1024x64xi32>
      %sign3A_291 = arith.extui %sign3A_290 : vector<1024x64xi1> to vector<1024x64xi32>
      %sign3A_292 = arith.subi %sign3A_287, %sign3A_291 : vector<1024x64xi32>
      %sign3A_293 = arith.constant 0 : i32
      %sign3A_294 = arith.cmpi sgt, %jit3A_281, %sign3A_293 : i32
      %sign3A_295 = arith.extui %sign3A_294 : i1 to i32
      %sign3A_296 = arith.constant 0 : i32
      %sign3A_297 = arith.cmpi slt, %jit3A_281, %sign3A_296 : i32
      %sign3A_298 = arith.extui %sign3A_297 : i1 to i32
      %sign3A_299 = arith.subi %sign3A_295, %sign3A_298 : i32
      %ne3A_300 = vector.broadcast %sign3A_299 : i32 to vector<1024x64xi32>
      %ne3A_301 = arith.cmpi ne, %sign3A_292, %ne3A_300 : vector<1024x64xi32>
      %rem3A_302 = vector.broadcast %jit3A_281 : i32 to vector<1024x64xi32>
      %rem3A_303 = arith.remsi %iota3A_280, %rem3A_302 : vector<1024x64xi32>
      %ne3A_304 = arith.constant 0 : i32
      %ne3A_305 = vector.broadcast %ne3A_304 : i32 to vector<1024x64xi32>
      %ne3A_306 = arith.cmpi ne, %rem3A_303, %ne3A_305 : vector<1024x64xi32>
      %and3A_307 = arith.andi %ne3A_301, %ne3A_306 : vector<1024x64xi1>
      %sub3A_308 = arith.constant 1 : i32
      %sub3A_309 = vector.broadcast %sub3A_308 : i32 to vector<1024x64xi32>
      %sub3A_310 = arith.subi %div3A_283, %sub3A_309 : vector<1024x64xi32>
      %select_n3A_311 = arith.select %and3A_307, %sub3A_310, %div3A_283 : vector<1024x64xi1>, vector<1024x64xi32>
      %iota3A_312 = tpu.iota {dimensions = array<i32: 1>} : vector<1024x64xi32>
      %eq3A_313 = arith.cmpi eq, %select_n3A_311, %iota3A_312 : vector<1024x64xi32>
      %convert_element_type3A_314 = arith.extui %eq3A_313 : vector<1024x64xi1> to vector<1024x64xi32>
      %convert_element_type3A_315 = arith.sitofp %convert_element_type3A_314 : vector<1024x64xi32> to vector<1024x64xf32>
      %iota3A_316 = tpu.iota {dimensions = array<i32: 0>} : vector<64x1024xi32>
      %iota3A_317 = tpu.iota {dimensions = array<i32: 1>} : vector<64x1024xi32>
      %jit3A_318 = arith.constant 16 : i32
      %div3A_319 = vector.broadcast %jit3A_318 : i32 to vector<64x1024xi32>
      %div3A_320 = arith.divsi %iota3A_317, %div3A_319 : vector<64x1024xi32>
      %sign3A_321 = arith.constant 0 : i32
      %sign3A_322 = vector.broadcast %sign3A_321 : i32 to vector<64x1024xi32>
      %sign3A_323 = arith.cmpi sgt, %iota3A_317, %sign3A_322 : vector<64x1024xi32>
      %sign3A_324 = arith.extui %sign3A_323 : vector<64x1024xi1> to vector<64x1024xi32>
      %sign3A_325 = arith.constant 0 : i32
      %sign3A_326 = vector.broadcast %sign3A_325 : i32 to vector<64x1024xi32>
      %sign3A_327 = arith.cmpi slt, %iota3A_317, %sign3A_326 : vector<64x1024xi32>
      %sign3A_328 = arith.extui %sign3A_327 : vector<64x1024xi1> to vector<64x1024xi32>
      %sign3A_329 = arith.subi %sign3A_324, %sign3A_328 : vector<64x1024xi32>
      %sign3A_330 = arith.constant 0 : i32
      %sign3A_331 = arith.cmpi sgt, %jit3A_318, %sign3A_330 : i32
      %sign3A_332 = arith.extui %sign3A_331 : i1 to i32
      %sign3A_333 = arith.constant 0 : i32
      %sign3A_334 = arith.cmpi slt, %jit3A_318, %sign3A_333 : i32
      %sign3A_335 = arith.extui %sign3A_334 : i1 to i32
      %sign3A_336 = arith.subi %sign3A_332, %sign3A_335 : i32
      %ne3A_337 = vector.broadcast %sign3A_336 : i32 to vector<64x1024xi32>
      %ne3A_338 = arith.cmpi ne, %sign3A_329, %ne3A_337 : vector<64x1024xi32>
      %rem3A_339 = vector.broadcast %jit3A_318 : i32 to vector<64x1024xi32>
      %rem3A_340 = arith.remsi %iota3A_317, %rem3A_339 : vector<64x1024xi32>
      %ne3A_341 = arith.constant 0 : i32
      %ne3A_342 = vector.broadcast %ne3A_341 : i32 to vector<64x1024xi32>
      %ne3A_343 = arith.cmpi ne, %rem3A_340, %ne3A_342 : vector<64x1024xi32>
      %and3A_344 = arith.andi %ne3A_338, %ne3A_343 : vector<64x1024xi1>
      %sub3A_345 = arith.constant 1 : i32
      %sub3A_346 = vector.broadcast %sub3A_345 : i32 to vector<64x1024xi32>
      %sub3A_347 = arith.subi %div3A_320, %sub3A_346 : vector<64x1024xi32>
      %select_n3A_348 = arith.select %and3A_344, %sub3A_347, %div3A_320 : vector<64x1024xi1>, vector<64x1024xi32>
      %eq3A_349 = arith.cmpi eq, %iota3A_316, %select_n3A_348 : vector<64x1024xi32>
      %convert_element_type3A_350 = arith.extui %eq3A_349 : vector<64x1024xi1> to vector<64x1024xi32>
      %convert_element_type3A_351 = arith.sitofp %convert_element_type3A_350 : vector<64x1024xi32> to vector<64x1024xf32>
      %iota3A_352 = tpu.iota {dimensions = array<i32: 1>} : vector<128x256xi32>
      %broadcast_in_dim3A = arith.constant 9.99999997E-7 : f32
      %broadcast_in_dim3A_353 = vector.broadcast %broadcast_in_dim3A : f32 to vector<1024x256xf32>
      %swap3A_354 = arith.constant 0 : index
      %swap3A_355 = arith.constant 0 : index
      %swap3A_356 = vector.load %arg13[%swap3A_354, %swap3A_355] : memref<1024x256xf32, #tpu.memory_space<vmem>>, vector<1024x256xf32>
      tpu.vector_store %arg13[%swap3A_354, %swap3A_355], %broadcast_in_dim3A_353 {strides = array<i32>} : memref<1024x256xf32, #tpu.memory_space<vmem>>, vector<1024x256xf32>,
      %broadcast_in_dim3A_357 = arith.constant 0.000000e+00 : f32
      %broadcast_in_dim3A_358 = vector.broadcast %broadcast_in_dim3A_357 : f32 to vector<16x256xf32>
      %broadcast_in_dim3A_359 = arith.constant 0.000000e+00 : f32
      %broadcast_in_dim3A_360 = vector.broadcast %broadcast_in_dim3A_359 : f32 to vector<16x256xf32>
      %broadcast_in_dim3A_361 = arith.constant 0.000000e+00 : f32
      %broadcast_in_dim3A_362 = vector.broadcast %broadcast_in_dim3A_361 : f32 to vector<16x64xf32>
      %scan3A = arith.constant 0 : i32
      %scan3A_363 = arith.constant 20 : i32
      %scan3A_364 = arith.addi %scan3A, %scan3A_363 : i32
      %scan3A_365 = arith.constant 1 : i32
      %scan3A_366:3 = scf.for %scan3A_376 = %scan3A to %scan3A_364 step %scan3A_365 iter_args(%scan3A_377 = %broadcast_in_dim3A_358, %scan3A_378 = %broadcast_in_dim3A_360, %scan3A_379 = %broadcast_in_dim3A_362) -> (vector<16x256xf32>, vector<16x256xf32>, vector<16x64xf32>)  : i32 {
        %get3A_380 = arith.constant 0 : index
        %get3A_381 = arith.constant 0 : index
        %get3A_382 = vector.load %arg13[%get3A_380, %get3A_381] : memref<1024x256xf32, #tpu.memory_space<vmem>>, vector<1024x256xf32>
        %mul3A = arith.constant 16 : i32
        %mul3A_383 = arith.muli %scan3A_376, %mul3A : i32
        %multiple_of3A = tpu.assume_multiple %mul3A_383, 16 : i32
        %get3A_384 = arith.index_cast %multiple_of3A : i32 to index
        %get3A_385 = arith.constant 0 : index
        %get3A_386 = vector.load %arg1[%get3A_384, %get3A_385] : memref<512x64xf32, #tpu.memory_space<vmem>>, vector<16x64xf32>
        %dot_general3A_387 = arith.constant dense<0.000000e+00> : vector<16x1024xf32>
        %dot_general3A_388 = tpu.matmul %get3A_386, %get3A_17, %dot_general3A_387 {dimension_numbers = #tpu.dot_dimension_numbers<[1], [0], [0], [1], [0, 0, 1, 1], [], []>, transpose_lhs_hint = false} : vector<16x64xf32>, vector<64x1024xf32>, vector<16x1024xf32> -> vector<16x1024xf32>
        %dot_general3A_389 = arith.constant dense<0.000000e+00> : vector<16x1024xf32>
        %dot_general3A_390 = tpu.matmul %scan3A_379, %get3A_20, %dot_general3A_389 {dimension_numbers = #tpu.dot_dimension_numbers<[1], [0], [0], [1], [0, 0, 1, 1], [], []>, transpose_lhs_hint = false} : vector<16x64xf32>, vector<64x1024xf32>, vector<16x1024xf32> -> vector<16x1024xf32>
        %add3A_391 = arith.addf %dot_general3A_388, %dot_general3A_390 : vector<16x1024xf32>
        %dot_general3A_392 = arith.constant dense<0.000000e+00> : vector<16x1024xf32>
        %dot_general3A_393 = tpu.matmul %scan3A_377, %get3A_23, %dot_general3A_392 {dimension_numbers = #tpu.dot_dimension_numbers<[1], [0], [0], [1], [0, 0, 1, 1], [], []>, transpose_lhs_hint = false} : vector<16x256xf32>, vector<256x1024xf32>, vector<16x1024xf32> -> vector<16x1024xf32>
        %add3A_394 = arith.addf %add3A_391, %dot_general3A_393 : vector<16x1024xf32>
        %add3A_395 = vector.broadcast %get3A_26 : vector<1x1024xf32> to vector<16x1024xf32>
        %add3A_396 = arith.addf %add3A_394, %add3A_395 : vector<16x1024xf32>
        %slice3A = vector.extract_strided_slice %add3A_396 {offsets = [0, 0], sizes = [16, 256], strides = [1, 1]} : vector<16x1024xf32> to vector<16x256xf32>
        %logistic3A = arith.negf %slice3A : vector<16x256xf32>
        %logistic3A_397 = math.exp %logistic3A : vector<16x256xf32>
        %logistic3A_398 = arith.constant 1.000000e+00 : f32
        %logistic3A_399 = vector.broadcast %logistic3A_398 : f32 to vector<16x256xf32>
        %logistic3A_400 = arith.addf %logistic3A_399, %logistic3A_397 : vector<16x256xf32>
        %logistic3A_401 = arith.divf %logistic3A_399, %logistic3A_400 : vector<16x256xf32>
        %slice3A_402 = vector.extract_strided_slice %add3A_396 {offsets = [0, 256], sizes = [16, 256], strides = [1, 1]} : vector<16x1024xf32> to vector<16x256xf32>
        %logistic3A_403 = arith.negf %slice3A_402 : vector<16x256xf32>
        %logistic3A_404 = math.exp %logistic3A_403 : vector<16x256xf32>
        %logistic3A_405 = arith.constant 1.000000e+00 : f32
        %logistic3A_406 = vector.broadcast %logistic3A_405 : f32 to vector<16x256xf32>
        %logistic3A_407 = arith.addf %logistic3A_406, %logistic3A_404 : vector<16x256xf32>
        %logistic3A_408 = arith.divf %logistic3A_406, %logistic3A_407 : vector<16x256xf32>
        %slice3A_409 = vector.extract_strided_slice %add3A_396 {offsets = [0, 512], sizes = [16, 256], strides = [1, 1]} : vector<16x1024xf32> to vector<16x256xf32>
        %tanh3A = math.tanh %slice3A_409 : vector<16x256xf32>
        %slice3A_410 = vector.extract_strided_slice %add3A_396 {offsets = [0, 768], sizes = [16, 256], strides = [1, 1]} : vector<16x1024xf32> to vector<16x256xf32>
        %logistic3A_411 = arith.negf %slice3A_410 : vector<16x256xf32>
        %logistic3A_412 = math.exp %logistic3A_411 : vector<16x256xf32>
        %logistic3A_413 = arith.constant 1.000000e+00 : f32
        %logistic3A_414 = vector.broadcast %logistic3A_413 : f32 to vector<16x256xf32>
        %logistic3A_415 = arith.addf %logistic3A_414, %logistic3A_412 : vector<16x256xf32>
        %logistic3A_416 = arith.divf %logistic3A_414, %logistic3A_415 : vector<16x256xf32>
        %mul3A_417 = arith.mulf %logistic3A_408, %scan3A_378 : vector<16x256xf32>
        %mul3A_418 = arith.mulf %logistic3A_401, %tanh3A : vector<16x256xf32>
        %add3A_419 = arith.addf %mul3A_417, %mul3A_418 : vector<16x256xf32>
        %tanh3A_420 = math.tanh %add3A_419 : vector<16x256xf32>
        %mul3A_421 = arith.mulf %logistic3A_416, %tanh3A_420 : vector<16x256xf32>
        %dot_general3A_422 = arith.constant dense<0.000000e+00> : vector<16x256xf32>
        %dot_general3A_423 = tpu.matmul %mul3A_421, %get3A_29, %dot_general3A_422 {dimension_numbers = #tpu.dot_dimension_numbers<[1], [0], [0], [1], [0, 0, 1, 1], [], []>, transpose_lhs_hint = false} : vector<16x256xf32>, vector<256x256xf32>, vector<16x256xf32> -> vector<16x256xf32>
        %add3A_424 = vector.broadcast %get3A_32 : vector<1x256xf32> to vector<16x256xf32>
        %add3A_425 = arith.addf %dot_general3A_423, %add3A_424 : vector<16x256xf32>
        %slice3A_426 = vector.extract_strided_slice %add3A_425 {offsets = [0, 0], sizes = [16, 64], strides = [1, 1]} : vector<16x256xf32> to vector<16x64xf32>
        %slice3A_427 = vector.extract_strided_slice %add3A_425 {offsets = [0, 64], sizes = [16, 64], strides = [1, 1]} : vector<16x256xf32> to vector<16x64xf32>
        %slice3A_428 = vector.extract_strided_slice %add3A_425 {offsets = [0, 128], sizes = [16, 64], strides = [1, 1]} : vector<16x256xf32> to vector<16x64xf32>
        %slice3A_429 = vector.extract_strided_slice %add3A_425 {offsets = [0, 192], sizes = [16, 64], strides = [1, 1]} : vector<16x256xf32> to vector<16x64xf32>
        %logistic3A_430 = arith.negf %slice3A_429 : vector<16x64xf32>
        %logistic3A_431 = math.exp %logistic3A_430 : vector<16x64xf32>
        %logistic3A_432 = arith.constant 1.000000e+00 : f32
        %logistic3A_433 = vector.broadcast %logistic3A_432 : f32 to vector<16x64xf32>
        %logistic3A_434 = arith.addf %logistic3A_433, %logistic3A_431 : vector<16x64xf32>
        %logistic3A_435 = arith.divf %logistic3A_433, %logistic3A_434 : vector<16x64xf32>
        %mul3A_436 = arith.mulf %slice3A_426, %slice3A_426 : vector<16x64xf32>
        %dot_general3A_437 = arith.constant dense<0.000000e+00> : vector<16x64xf32>
        %dot_general3A_438 = tpu.matmul %mul3A_436, %convert_element_type3A_96, %dot_general3A_437 {dimension_numbers = #tpu.dot_dimension_numbers<[1], [0], [0], [1], [0, 0, 1, 1], [], []>, transpose_lhs_hint = false} : vector<16x64xf32>, vector<64x64xf32>, vector<16x64xf32> -> vector<16x64xf32>
        %sqrt3A = math.sqrt %dot_general3A_438 : vector<16x64xf32>
        %add3A_439 = arith.constant 9.99999993E-9 : f32
        %add3A_440 = vector.broadcast %add3A_439 : f32 to vector<16x64xf32>
        %add3A_441 = arith.addf %sqrt3A, %add3A_440 : vector<16x64xf32>
        %div3A_442 = arith.divf %slice3A_426, %add3A_441 : vector<16x64xf32>
        %mul3A_443 = arith.mulf %slice3A_427, %slice3A_427 : vector<16x64xf32>
        %dot_general3A_444 = arith.constant dense<0.000000e+00> : vector<16x64xf32>
        %dot_general3A_445 = tpu.matmul %mul3A_443, %convert_element_type3A_96, %dot_general3A_444 {dimension_numbers = #tpu.dot_dimension_numbers<[1], [0], [0], [1], [0, 0, 1, 1], [], []>, transpose_lhs_hint = false} : vector<16x64xf32>, vector<64x64xf32>, vector<16x64xf32> -> vector<16x64xf32>
        %sqrt3A_446 = math.sqrt %dot_general3A_445 : vector<16x64xf32>
        %add3A_447 = arith.constant 9.99999993E-9 : f32
        %add3A_448 = vector.broadcast %add3A_447 : f32 to vector<16x64xf32>
        %add3A_449 = arith.addf %sqrt3A_446, %add3A_448 : vector<16x64xf32>
        %div3A_450 = arith.divf %slice3A_427, %add3A_449 : vector<16x64xf32>
        %concatenate3A = tpu.concatenate %div3A_442, %div3A_450, %slice3A_428, %logistic3A_435 in 1 : vector<16x64xf32>, vector<16x64xf32>, vector<16x64xf32>, vector<16x64xf32> -> vector<16x256xf32>
        %dot_general3A_451 = arith.constant dense<0.000000e+00> : vector<1024x256xf32>
        %dot_general3A_452 = tpu.matmul %convert_element_type3A_132, %concatenate3A, %dot_general3A_451 {dimension_numbers = #tpu.dot_dimension_numbers<[1], [0], [0], [1], [0, 0, 1, 1], [], []>, transpose_lhs_hint = false} : vector<1024x16xf32>, vector<16x256xf32>, vector<1024x256xf32> -> vector<1024x256xf32>
        %mul3A_453 = arith.mulf %dot_general3A_452, %convert_element_type3A_243 : vector<1024x256xf32>
        %dot_general3A_454 = arith.constant dense<0.000000e+00> : vector<1024x4xf32>
        %dot_general3A_455 = tpu.matmul %mul3A_453, %convert_element_type3A_279, %dot_general3A_454 {dimension_numbers = #tpu.dot_dimension_numbers<[1], [0], [0], [1], [0, 0, 1, 1], [], []>, transpose_lhs_hint = false} : vector<1024x256xf32>, vector<256x4xf32>, vector<1024x4xf32> -> vector<1024x4xf32>
        %slice3A_456 = vector.extract_strided_slice %dot_general3A_455 {offsets = [0, 0], sizes = [1024, 1], strides = [1, 1]} : vector<1024x4xf32> to vector<1024x1xf32>
        %slice3A_457 = vector.extract_strided_slice %dot_general3A_455 {offsets = [0, 1], sizes = [1024, 1], strides = [1, 1]} : vector<1024x4xf32> to vector<1024x1xf32>
        %slice3A_458 = vector.extract_strided_slice %dot_general3A_455 {offsets = [0, 2], sizes = [1024, 1], strides = [1, 1]} : vector<1024x4xf32> to vector<1024x1xf32>
        %slice3A_459 = vector.extract_strided_slice %dot_general3A_455 {offsets = [0, 3], sizes = [1024, 1], strides = [1, 1]} : vector<1024x4xf32> to vector<1024x1xf32>
        %mul3A_460 = arith.mulf %get3A_382, %get3A_382 : vector<1024x256xf32>
        %dot_general3A_461 = arith.constant dense<0.000000e+00> : vector<64x256xf32>
        %dot_general3A_462 = tpu.matmul %convert_element_type3A_351, %mul3A_460, %dot_general3A_461 {dimension_numbers = #tpu.dot_dimension_numbers<[1], [0], [0], [1], [0, 0, 1, 1], [], []>, transpose_lhs_hint = false} : vector<64x1024xf32>, vector<1024x256xf32>, vector<64x256xf32> -> vector<64x256xf32>
        %mul3A_463 = vector.broadcast %slice3A_456 : vector<1024x1xf32> to vector<1024x256xf32>
        %mul3A_464 = arith.mulf %get3A_382, %mul3A_463 : vector<1024x256xf32>
        %dot_general3A_465 = arith.constant dense<0.000000e+00> : vector<64x256xf32>
        %dot_general3A_466 = tpu.matmul %convert_element_type3A_351, %mul3A_464, %dot_general3A_465 {dimension_numbers = #tpu.dot_dimension_numbers<[1], [0], [0], [1], [0, 0, 1, 1], [], []>, transpose_lhs_hint = false} : vector<64x1024xf32>, vector<1024x256xf32>, vector<64x256xf32> -> vector<64x256xf32>
        %mul3A_467 = vector.broadcast %slice3A_457 : vector<1024x1xf32> to vector<1024x256xf32>
        %mul3A_468 = arith.mulf %get3A_382, %mul3A_467 : vector<1024x256xf32>
        %dot_general3A_469 = arith.constant dense<0.000000e+00> : vector<64x256xf32>
        %dot_general3A_470 = tpu.matmul %convert_element_type3A_351, %mul3A_468, %dot_general3A_469 {dimension_numbers = #tpu.dot_dimension_numbers<[1], [0], [0], [1], [0, 0, 1, 1], [], []>, transpose_lhs_hint = false} : vector<64x1024xf32>, vector<1024x256xf32>, vector<64x256xf32> -> vector<64x256xf32>
        %sqrt3A_471 = math.sqrt %dot_general3A_462 : vector<64x256xf32>
        %add3A_472 = arith.constant 9.99999993E-9 : f32
        %add3A_473 = vector.broadcast %add3A_472 : f32 to vector<64x256xf32>
        %add3A_474 = arith.addf %sqrt3A_471, %add3A_473 : vector<64x256xf32>
        %div3A_475 = arith.constant 1.000000e+00 : f32
        %div3A_476 = vector.broadcast %div3A_475 : f32 to vector<64x256xf32>
        %div3A_477 = arith.divf %div3A_476, %add3A_474 : vector<64x256xf32>
        %concatenate3A_478 = tpu.concatenate %div3A_477, %div3A_477 in 0 : vector<64x256xf32>, vector<64x256xf32> -> vector<128x256xf32>
        %iota3A_479 = tpu.iota {dimensions = array<i32: 0>} : vector<128x1xi32>
        %lt3A_480 = arith.constant 64 : i32
        %lt3A_481 = vector.broadcast %lt3A_480 : i32 to vector<128x1xi32>
        %lt3A_482 = arith.cmpi slt, %iota3A_479, %lt3A_481 : vector<128x1xi32>
        %broadcast_in_dim3A_483 = vector.broadcast %get3A_35 : f32 to vector<128x1xf32>
        %broadcast_in_dim3A_484 = vector.broadcast %get3A_38 : f32 to vector<128x1xf32>
        %select_n3A_485 = arith.select %lt3A_482, %broadcast_in_dim3A_483, %broadcast_in_dim3A_484 : vector<128x1xi1>, vector<128x1xf32>
        %concatenate3A_486 = tpu.concatenate %dot_general3A_466, %dot_general3A_470 in 0 : vector<64x256xf32>, vector<64x256xf32> -> vector<128x256xf32>
        %mul3A_487 = arith.mulf %concatenate3A_486, %concatenate3A_478 : vector<128x256xf32>
        %mul3A_488 = vector.broadcast %select_n3A_485 : vector<128x1xf32> to vector<128x256xf32>
        %mul3A_489 = arith.mulf %mul3A_487, %mul3A_488 : vector<128x256xf32>
        %reduce_max3A = arith.constant dense<0xFF800000> : vector<128xf32>
        %reduce_max3A_490 = vector.multi_reduction <maximumf>, %mul3A_489, %reduce_max3A [1] : vector<128x256xf32> to vector<128xf32>
        %broadcast_in_dim3A_491 = vector.shape_cast %reduce_max3A_490 : vector<128xf32> to vector<128x1xf32>
        %eq3A_492 = vector.broadcast %broadcast_in_dim3A_491 : vector<128x1xf32> to vector<128x256xf32>
        %eq3A_493 = arith.cmpf oeq, %mul3A_489, %eq3A_492 : vector<128x256xf32>
        %jit3A_494 = arith.constant 256 : i32
        %broadcast_in_dim3A_495 = vector.broadcast %jit3A_494 : i32 to vector<128x256xi32>
        %select_n3A_496 = arith.select %eq3A_493, %iota3A_352, %broadcast_in_dim3A_495 : vector<128x256xi1>, vector<128x256xi32>
        %reduce_min3A = arith.constant dense<2147483647> : vector<128xi32>
        %reduce_min3A_497 = vector.multi_reduction <minsi>, %select_n3A_496, %reduce_min3A [1] : vector<128x256xi32> to vector<128xi32>
        %broadcast_in_dim3A_498 = vector.shape_cast %reduce_min3A_497 : vector<128xi32> to vector<128x1xi32>
        %eq3A_499 = vector.broadcast %broadcast_in_dim3A_498 : vector<128x1xi32> to vector<128x256xi32>
        %eq3A_500 = arith.cmpi eq, %iota3A_352, %eq3A_499 : vector<128x256xi32>
        %jit3A_501 = arith.constant 0xFF800000 : f32
        %broadcast_in_dim3A_502 = vector.broadcast %jit3A_501 : f32 to vector<128x256xf32>
        %select_n3A_503 = arith.select %eq3A_500, %broadcast_in_dim3A_502, %mul3A_489 : vector<128x256xi1>, vector<128x256xf32>
        %reduce_max3A_504 = arith.constant dense<0xFF800000> : vector<128xf32>
        %reduce_max3A_505 = vector.multi_reduction <maximumf>, %select_n3A_503, %reduce_max3A_504 [1] : vector<128x256xf32> to vector<128xf32>
        %broadcast_in_dim3A_506 = vector.shape_cast %reduce_max3A_505 : vector<128xf32> to vector<128x1xf32>
        %eq3A_507 = vector.broadcast %broadcast_in_dim3A_506 : vector<128x1xf32> to vector<128x256xf32>
        %eq3A_508 = arith.cmpf oeq, %select_n3A_503, %eq3A_507 : vector<128x256xf32>
        %jit3A_509 = arith.constant 256 : i32
        %broadcast_in_dim3A_510 = vector.broadcast %jit3A_509 : i32 to vector<128x256xi32>
        %select_n3A_511 = arith.select %eq3A_508, %iota3A_352, %broadcast_in_dim3A_510 : vector<128x256xi1>, vector<128x256xi32>
        %reduce_min3A_512 = arith.constant dense<2147483647> : vector<128xi32>
        %reduce_min3A_513 = vector.multi_reduction <minsi>, %select_n3A_511, %reduce_min3A_512 [1] : vector<128x256xi32> to vector<128xi32>
        %broadcast_in_dim3A_514 = vector.shape_cast %reduce_min3A_513 : vector<128xi32> to vector<128x1xi32>
        %eq3A_515 = vector.broadcast %broadcast_in_dim3A_514 : vector<128x1xi32> to vector<128x256xi32>
        %eq3A_516 = arith.cmpi eq, %iota3A_352, %eq3A_515 : vector<128x256xi32>
        %jit3A_517 = arith.constant 0xFF800000 : f32
        %broadcast_in_dim3A_518 = vector.broadcast %jit3A_517 : f32 to vector<128x256xf32>
        %select_n3A_519 = arith.select %eq3A_516, %broadcast_in_dim3A_518, %select_n3A_503 : vector<128x256xi1>, vector<128x256xf32>
        %reduce_max3A_520 = arith.constant dense<0xFF800000> : vector<128xf32>
        %reduce_max3A_521 = vector.multi_reduction <maximumf>, %select_n3A_519, %reduce_max3A_520 [1] : vector<128x256xf32> to vector<128xf32>
        %broadcast_in_dim3A_522 = vector.shape_cast %reduce_max3A_521 : vector<128xf32> to vector<128x1xf32>
        %eq3A_523 = vector.broadcast %broadcast_in_dim3A_522 : vector<128x1xf32> to vector<128x256xf32>
        %eq3A_524 = arith.cmpf oeq, %select_n3A_519, %eq3A_523 : vector<128x256xf32>
        %jit3A_525 = arith.constant 256 : i32
        %broadcast_in_dim3A_526 = vector.broadcast %jit3A_525 : i32 to vector<128x256xi32>
        %select_n3A_527 = arith.select %eq3A_524, %iota3A_352, %broadcast_in_dim3A_526 : vector<128x256xi1>, vector<128x256xi32>
        %reduce_min3A_528 = arith.constant dense<2147483647> : vector<128xi32>
        %reduce_min3A_529 = vector.multi_reduction <minsi>, %select_n3A_527, %reduce_min3A_528 [1] : vector<128x256xi32> to vector<128xi32>
        %broadcast_in_dim3A_530 = vector.shape_cast %reduce_min3A_529 : vector<128xi32> to vector<128x1xi32>
        %eq3A_531 = vector.broadcast %broadcast_in_dim3A_530 : vector<128x1xi32> to vector<128x256xi32>
        %eq3A_532 = arith.cmpi eq, %iota3A_352, %eq3A_531 : vector<128x256xi32>
        %jit3A_533 = arith.constant 0xFF800000 : f32
        %broadcast_in_dim3A_534 = vector.broadcast %jit3A_533 : f32 to vector<128x256xf32>
        %select_n3A_535 = arith.select %eq3A_532, %broadcast_in_dim3A_534, %select_n3A_519 : vector<128x256xi1>, vector<128x256xf32>
        %reduce_max3A_536 = arith.constant dense<0xFF800000> : vector<128xf32>
        %reduce_max3A_537 = vector.multi_reduction <maximumf>, %select_n3A_535, %reduce_max3A_536 [1] : vector<128x256xf32> to vector<128xf32>
        %broadcast_in_dim3A_538 = vector.shape_cast %reduce_max3A_537 : vector<128xf32> to vector<128x1xf32>
        %eq3A_539 = vector.broadcast %broadcast_in_dim3A_538 : vector<128x1xf32> to vector<128x256xf32>
        %eq3A_540 = arith.cmpf oeq, %select_n3A_535, %eq3A_539 : vector<128x256xf32>
        %jit3A_541 = arith.constant 256 : i32
        %broadcast_in_dim3A_542 = vector.broadcast %jit3A_541 : i32 to vector<128x256xi32>
        %select_n3A_543 = arith.select %eq3A_540, %iota3A_352, %broadcast_in_dim3A_542 : vector<128x256xi1>, vector<128x256xi32>
        %reduce_min3A_544 = arith.constant dense<2147483647> : vector<128xi32>
        %reduce_min3A_545 = vector.multi_reduction <minsi>, %select_n3A_543, %reduce_min3A_544 [1] : vector<128x256xi32> to vector<128xi32>
        %broadcast_in_dim3A_546 = vector.shape_cast %reduce_min3A_545 : vector<128xi32> to vector<128x1xi32>
        %eq3A_547 = vector.broadcast %broadcast_in_dim3A_546 : vector<128x1xi32> to vector<128x256xi32>
        %eq3A_548 = arith.cmpi eq, %iota3A_352, %eq3A_547 : vector<128x256xi32>
        %jit3A_549 = arith.constant 0xFF800000 : f32
        %broadcast_in_dim3A_550 = vector.broadcast %jit3A_549 : f32 to vector<128x256xf32>
        %select_n3A_551 = arith.select %eq3A_548, %broadcast_in_dim3A_550, %select_n3A_535 : vector<128x256xi1>, vector<128x256xf32>
        %reduce_max3A_552 = arith.constant dense<0xFF800000> : vector<128xf32>
        %reduce_max3A_553 = vector.multi_reduction <maximumf>, %select_n3A_551, %reduce_max3A_552 [1] : vector<128x256xf32> to vector<128xf32>
        %broadcast_in_dim3A_554 = vector.shape_cast %reduce_max3A_553 : vector<128xf32> to vector<128x1xf32>
        %eq3A_555 = vector.broadcast %broadcast_in_dim3A_554 : vector<128x1xf32> to vector<128x256xf32>
        %eq3A_556 = arith.cmpf oeq, %select_n3A_551, %eq3A_555 : vector<128x256xf32>
        %jit3A_557 = arith.constant 256 : i32
        %broadcast_in_dim3A_558 = vector.broadcast %jit3A_557 : i32 to vector<128x256xi32>
        %select_n3A_559 = arith.select %eq3A_556, %iota3A_352, %broadcast_in_dim3A_558 : vector<128x256xi1>, vector<128x256xi32>
        %reduce_min3A_560 = arith.constant dense<2147483647> : vector<128xi32>
        %reduce_min3A_561 = vector.multi_reduction <minsi>, %select_n3A_559, %reduce_min3A_560 [1] : vector<128x256xi32> to vector<128xi32>
        %broadcast_in_dim3A_562 = vector.shape_cast %reduce_min3A_561 : vector<128xi32> to vector<128x1xi32>
        %eq3A_563 = vector.broadcast %broadcast_in_dim3A_562 : vector<128x1xi32> to vector<128x256xi32>
        %eq3A_564 = arith.cmpi eq, %iota3A_352, %eq3A_563 : vector<128x256xi32>
        %jit3A_565 = arith.constant 0xFF800000 : f32
        %broadcast_in_dim3A_566 = vector.broadcast %jit3A_565 : f32 to vector<128x256xf32>
        %select_n3A_567 = arith.select %eq3A_564, %broadcast_in_dim3A_566, %select_n3A_551 : vector<128x256xi1>, vector<128x256xf32>
        %reduce_max3A_568 = arith.constant dense<0xFF800000> : vector<128xf32>
        %reduce_max3A_569 = vector.multi_reduction <maximumf>, %select_n3A_567, %reduce_max3A_568 [1] : vector<128x256xf32> to vector<128xf32>
        %broadcast_in_dim3A_570 = vector.shape_cast %reduce_max3A_569 : vector<128xf32> to vector<128x1xf32>
        %eq3A_571 = vector.broadcast %broadcast_in_dim3A_570 : vector<128x1xf32> to vector<128x256xf32>
        %eq3A_572 = arith.cmpf oeq, %select_n3A_567, %eq3A_571 : vector<128x256xf32>
        %jit3A_573 = arith.constant 256 : i32
        %broadcast_in_dim3A_574 = vector.broadcast %jit3A_573 : i32 to vector<128x256xi32>
        %select_n3A_575 = arith.select %eq3A_572, %iota3A_352, %broadcast_in_dim3A_574 : vector<128x256xi1>, vector<128x256xi32>
        %reduce_min3A_576 = arith.constant dense<2147483647> : vector<128xi32>
        %reduce_min3A_577 = vector.multi_reduction <minsi>, %select_n3A_575, %reduce_min3A_576 [1] : vector<128x256xi32> to vector<128xi32>
        %broadcast_in_dim3A_578 = vector.shape_cast %reduce_min3A_577 : vector<128xi32> to vector<128x1xi32>
        %eq3A_579 = vector.broadcast %broadcast_in_dim3A_578 : vector<128x1xi32> to vector<128x256xi32>
        %eq3A_580 = arith.cmpi eq, %iota3A_352, %eq3A_579 : vector<128x256xi32>
        %jit3A_581 = arith.constant 0xFF800000 : f32
        %broadcast_in_dim3A_582 = vector.broadcast %jit3A_581 : f32 to vector<128x256xf32>
        %select_n3A_583 = arith.select %eq3A_580, %broadcast_in_dim3A_582, %select_n3A_567 : vector<128x256xi1>, vector<128x256xf32>
        %reduce_max3A_584 = arith.constant dense<0xFF800000> : vector<128xf32>
        %reduce_max3A_585 = vector.multi_reduction <maximumf>, %select_n3A_583, %reduce_max3A_584 [1] : vector<128x256xf32> to vector<128xf32>
        %broadcast_in_dim3A_586 = vector.shape_cast %reduce_max3A_585 : vector<128xf32> to vector<128x1xf32>
        %eq3A_587 = vector.broadcast %broadcast_in_dim3A_586 : vector<128x1xf32> to vector<128x256xf32>
        %eq3A_588 = arith.cmpf oeq, %select_n3A_583, %eq3A_587 : vector<128x256xf32>
        %jit3A_589 = arith.constant 256 : i32
        %broadcast_in_dim3A_590 = vector.broadcast %jit3A_589 : i32 to vector<128x256xi32>
        %select_n3A_591 = arith.select %eq3A_588, %iota3A_352, %broadcast_in_dim3A_590 : vector<128x256xi1>, vector<128x256xi32>
        %reduce_min3A_592 = arith.constant dense<2147483647> : vector<128xi32>
        %reduce_min3A_593 = vector.multi_reduction <minsi>, %select_n3A_591, %reduce_min3A_592 [1] : vector<128x256xi32> to vector<128xi32>
        %broadcast_in_dim3A_594 = vector.shape_cast %reduce_min3A_593 : vector<128xi32> to vector<128x1xi32>
        %eq3A_595 = vector.broadcast %broadcast_in_dim3A_594 : vector<128x1xi32> to vector<128x256xi32>
        %eq3A_596 = arith.cmpi eq, %iota3A_352, %eq3A_595 : vector<128x256xi32>
        %jit3A_597 = arith.constant 0xFF800000 : f32
        %broadcast_in_dim3A_598 = vector.broadcast %jit3A_597 : f32 to vector<128x256xf32>
        %select_n3A_599 = arith.select %eq3A_596, %broadcast_in_dim3A_598, %select_n3A_583 : vector<128x256xi1>, vector<128x256xf32>
        %reduce_max3A_600 = arith.constant dense<0xFF800000> : vector<128xf32>
        %reduce_max3A_601 = vector.multi_reduction <maximumf>, %select_n3A_599, %reduce_max3A_600 [1] : vector<128x256xf32> to vector<128xf32>
        %broadcast_in_dim3A_602 = vector.shape_cast %reduce_max3A_601 : vector<128xf32> to vector<128x1xf32>
        %eq3A_603 = vector.broadcast %broadcast_in_dim3A_602 : vector<128x1xf32> to vector<128x256xf32>
        %eq3A_604 = arith.cmpf oeq, %select_n3A_599, %eq3A_603 : vector<128x256xf32>
        %jit3A_605 = arith.constant 256 : i32
        %broadcast_in_dim3A_606 = vector.broadcast %jit3A_605 : i32 to vector<128x256xi32>
        %select_n3A_607 = arith.select %eq3A_604, %iota3A_352, %broadcast_in_dim3A_606 : vector<128x256xi1>, vector<128x256xi32>
        %reduce_min3A_608 = arith.constant dense<2147483647> : vector<128xi32>
        %reduce_min3A_609 = vector.multi_reduction <minsi>, %select_n3A_607, %reduce_min3A_608 [1] : vector<128x256xi32> to vector<128xi32>
        %broadcast_in_dim3A_610 = vector.shape_cast %reduce_min3A_609 : vector<128xi32> to vector<128x1xi32>
        %concatenate3A_611 = tpu.concatenate %broadcast_in_dim3A_491, %broadcast_in_dim3A_506, %broadcast_in_dim3A_522, %broadcast_in_dim3A_538, %broadcast_in_dim3A_554, %broadcast_in_dim3A_570, %broadcast_in_dim3A_586, %broadcast_in_dim3A_602 in 1 : vector<128x1xf32>, vector<128x1xf32>, vector<128x1xf32>, vector<128x1xf32>, vector<128x1xf32>, vector<128x1xf32>, vector<128x1xf32>, vector<128x1xf32> -> vector<128x8xf32>
        %concatenate3A_612 = tpu.concatenate %broadcast_in_dim3A_498, %broadcast_in_dim3A_514, %broadcast_in_dim3A_530, %broadcast_in_dim3A_546, %broadcast_in_dim3A_562, %broadcast_in_dim3A_578, %broadcast_in_dim3A_594, %broadcast_in_dim3A_610 in 1 : vector<128x1xi32>, vector<128x1xi32>, vector<128x1xi32>, vector<128x1xi32>, vector<128x1xi32>, vector<128x1xi32>, vector<128x1xi32>, vector<128x1xi32> -> vector<128x8xi32>
        %slice3A_613 = vector.extract_strided_slice %concatenate3A_611 {offsets = [0, 0], sizes = [128, 1], strides = [1, 1]} : vector<128x8xf32> to vector<128x1xf32>
        %sub3A_614 = vector.broadcast %slice3A_613 : vector<128x1xf32> to vector<128x8xf32>
        %sub3A_615 = arith.subf %concatenate3A_611, %sub3A_614 : vector<128x8xf32>
        %exp3A = math.exp %sub3A_615 : vector<128x8xf32>
        %reduce_sum3A = arith.constant dense<0.000000e+00> : vector<128xf32>
        %reduce_sum3A_616 = vector.multi_reduction <add>, %exp3A, %reduce_sum3A [1] : vector<128x8xf32> to vector<128xf32>
        %broadcast_in_dim3A_617 = vector.shape_cast %reduce_sum3A_616 : vector<128xf32> to vector<128x1xf32>
        %div3A_618 = vector.broadcast %broadcast_in_dim3A_617 : vector<128x1xf32> to vector<128x8xf32>
        %div3A_619 = arith.divf %exp3A, %div3A_618 : vector<128x8xf32>
        %broadcast_in_dim3A_620 = arith.constant 0.000000e+00 : f32
        %broadcast_in_dim3A_621 = vector.broadcast %broadcast_in_dim3A_620 : f32 to vector<128x256xf32>
        %slice3A_622 = vector.extract_strided_slice %concatenate3A_612 {offsets = [0, 0], sizes = [128, 1], strides = [1, 1]} : vector<128x8xi32> to vector<128x1xi32>
        %eq3A_623 = vector.broadcast %slice3A_622 : vector<128x1xi32> to vector<128x256xi32>
        %eq3A_624 = arith.cmpi eq, %iota3A_352, %eq3A_623 : vector<128x256xi32>
        %slice3A_625 = vector.extract_strided_slice %div3A_619 {offsets = [0, 0], sizes = [128, 1], strides = [1, 1]} : vector<128x8xf32> to vector<128x1xf32>
        %jit3A_626 = arith.constant 0.000000e+00 : f32
        %broadcast_in_dim3A_627 = vector.shape_cast %slice3A_625 : vector<128x1xf32> to vector<128x1xf32>
        %broadcast_in_dim3A_628 = vector.broadcast %broadcast_in_dim3A_627 : vector<128x1xf32> to vector<128x256xf32>
        %broadcast_in_dim3A_629 = vector.broadcast %jit3A_626 : f32 to vector<128x256xf32>
        %select_n3A_630 = arith.select %eq3A_624, %broadcast_in_dim3A_628, %broadcast_in_dim3A_629 : vector<128x256xi1>, vector<128x256xf32>
        %add3A_631 = arith.addf %broadcast_in_dim3A_621, %select_n3A_630 : vector<128x256xf32>
        %slice3A_632 = vector.extract_strided_slice %concatenate3A_612 {offsets = [0, 1], sizes = [128, 1], strides = [1, 1]} : vector<128x8xi32> to vector<128x1xi32>
        %eq3A_633 = vector.broadcast %slice3A_632 : vector<128x1xi32> to vector<128x256xi32>
        %eq3A_634 = arith.cmpi eq, %iota3A_352, %eq3A_633 : vector<128x256xi32>
        %slice3A_635 = vector.extract_strided_slice %div3A_619 {offsets = [0, 1], sizes = [128, 1], strides = [1, 1]} : vector<128x8xf32> to vector<128x1xf32>
        %jit3A_636 = arith.constant 0.000000e+00 : f32
        %broadcast_in_dim3A_637 = vector.shape_cast %slice3A_635 : vector<128x1xf32> to vector<128x1xf32>
        %broadcast_in_dim3A_638 = vector.broadcast %broadcast_in_dim3A_637 : vector<128x1xf32> to vector<128x256xf32>
        %broadcast_in_dim3A_639 = vector.broadcast %jit3A_636 : f32 to vector<128x256xf32>
        %select_n3A_640 = arith.select %eq3A_634, %broadcast_in_dim3A_638, %broadcast_in_dim3A_639 : vector<128x256xi1>, vector<128x256xf32>
        %add3A_641 = arith.addf %add3A_631, %select_n3A_640 : vector<128x256xf32>
        %slice3A_642 = vector.extract_strided_slice %concatenate3A_612 {offsets = [0, 2], sizes = [128, 1], strides = [1, 1]} : vector<128x8xi32> to vector<128x1xi32>
        %eq3A_643 = vector.broadcast %slice3A_642 : vector<128x1xi32> to vector<128x256xi32>
        %eq3A_644 = arith.cmpi eq, %iota3A_352, %eq3A_643 : vector<128x256xi32>
        %slice3A_645 = vector.extract_strided_slice %div3A_619 {offsets = [0, 2], sizes = [128, 1], strides = [1, 1]} : vector<128x8xf32> to vector<128x1xf32>
        %jit3A_646 = arith.constant 0.000000e+00 : f32
        %broadcast_in_dim3A_647 = vector.shape_cast %slice3A_645 : vector<128x1xf32> to vector<128x1xf32>
        %broadcast_in_dim3A_648 = vector.broadcast %broadcast_in_dim3A_647 : vector<128x1xf32> to vector<128x256xf32>
        %broadcast_in_dim3A_649 = vector.broadcast %jit3A_646 : f32 to vector<128x256xf32>
        %select_n3A_650 = arith.select %eq3A_644, %broadcast_in_dim3A_648, %broadcast_in_dim3A_649 : vector<128x256xi1>, vector<128x256xf32>
        %add3A_651 = arith.addf %add3A_641, %select_n3A_650 : vector<128x256xf32>
        %slice3A_652 = vector.extract_strided_slice %concatenate3A_612 {offsets = [0, 3], sizes = [128, 1], strides = [1, 1]} : vector<128x8xi32> to vector<128x1xi32>
        %eq3A_653 = vector.broadcast %slice3A_652 : vector<128x1xi32> to vector<128x256xi32>
        %eq3A_654 = arith.cmpi eq, %iota3A_352, %eq3A_653 : vector<128x256xi32>
        %slice3A_655 = vector.extract_strided_slice %div3A_619 {offsets = [0, 3], sizes = [128, 1], strides = [1, 1]} : vector<128x8xf32> to vector<128x1xf32>
        %jit3A_656 = arith.constant 0.000000e+00 : f32
        %broadcast_in_dim3A_657 = vector.shape_cast %slice3A_655 : vector<128x1xf32> to vector<128x1xf32>
        %broadcast_in_dim3A_658 = vector.broadcast %broadcast_in_dim3A_657 : vector<128x1xf32> to vector<128x256xf32>
        %broadcast_in_dim3A_659 = vector.broadcast %jit3A_656 : f32 to vector<128x256xf32>
        %select_n3A_660 = arith.select %eq3A_654, %broadcast_in_dim3A_658, %broadcast_in_dim3A_659 : vector<128x256xi1>, vector<128x256xf32>
        %add3A_661 = arith.addf %add3A_651, %select_n3A_660 : vector<128x256xf32>
        %slice3A_662 = vector.extract_strided_slice %concatenate3A_612 {offsets = [0, 4], sizes = [128, 1], strides = [1, 1]} : vector<128x8xi32> to vector<128x1xi32>
        %eq3A_663 = vector.broadcast %slice3A_662 : vector<128x1xi32> to vector<128x256xi32>
        %eq3A_664 = arith.cmpi eq, %iota3A_352, %eq3A_663 : vector<128x256xi32>
        %slice3A_665 = vector.extract_strided_slice %div3A_619 {offsets = [0, 4], sizes = [128, 1], strides = [1, 1]} : vector<128x8xf32> to vector<128x1xf32>
        %jit3A_666 = arith.constant 0.000000e+00 : f32
        %broadcast_in_dim3A_667 = vector.shape_cast %slice3A_665 : vector<128x1xf32> to vector<128x1xf32>
        %broadcast_in_dim3A_668 = vector.broadcast %broadcast_in_dim3A_667 : vector<128x1xf32> to vector<128x256xf32>
        %broadcast_in_dim3A_669 = vector.broadcast %jit3A_666 : f32 to vector<128x256xf32>
        %select_n3A_670 = arith.select %eq3A_664, %broadcast_in_dim3A_668, %broadcast_in_dim3A_669 : vector<128x256xi1>, vector<128x256xf32>
        %add3A_671 = arith.addf %add3A_661, %select_n3A_670 : vector<128x256xf32>
        %slice3A_672 = vector.extract_strided_slice %concatenate3A_612 {offsets = [0, 5], sizes = [128, 1], strides = [1, 1]} : vector<128x8xi32> to vector<128x1xi32>
        %eq3A_673 = vector.broadcast %slice3A_672 : vector<128x1xi32> to vector<128x256xi32>
        %eq3A_674 = arith.cmpi eq, %iota3A_352, %eq3A_673 : vector<128x256xi32>
        %slice3A_675 = vector.extract_strided_slice %div3A_619 {offsets = [0, 5], sizes = [128, 1], strides = [1, 1]} : vector<128x8xf32> to vector<128x1xf32>
        %jit3A_676 = arith.constant 0.000000e+00 : f32
        %broadcast_in_dim3A_677 = vector.shape_cast %slice3A_675 : vector<128x1xf32> to vector<128x1xf32>
        %broadcast_in_dim3A_678 = vector.broadcast %broadcast_in_dim3A_677 : vector<128x1xf32> to vector<128x256xf32>
        %broadcast_in_dim3A_679 = vector.broadcast %jit3A_676 : f32 to vector<128x256xf32>
        %select_n3A_680 = arith.select %eq3A_674, %broadcast_in_dim3A_678, %broadcast_in_dim3A_679 : vector<128x256xi1>, vector<128x256xf32>
        %add3A_681 = arith.addf %add3A_671, %select_n3A_680 : vector<128x256xf32>
        %slice3A_682 = vector.extract_strided_slice %concatenate3A_612 {offsets = [0, 6], sizes = [128, 1], strides = [1, 1]} : vector<128x8xi32> to vector<128x1xi32>
        %eq3A_683 = vector.broadcast %slice3A_682 : vector<128x1xi32> to vector<128x256xi32>
        %eq3A_684 = arith.cmpi eq, %iota3A_352, %eq3A_683 : vector<128x256xi32>
        %slice3A_685 = vector.extract_strided_slice %div3A_619 {offsets = [0, 6], sizes = [128, 1], strides = [1, 1]} : vector<128x8xf32> to vector<128x1xf32>
        %jit3A_686 = arith.constant 0.000000e+00 : f32
        %broadcast_in_dim3A_687 = vector.shape_cast %slice3A_685 : vector<128x1xf32> to vector<128x1xf32>
        %broadcast_in_dim3A_688 = vector.broadcast %broadcast_in_dim3A_687 : vector<128x1xf32> to vector<128x256xf32>
        %broadcast_in_dim3A_689 = vector.broadcast %jit3A_686 : f32 to vector<128x256xf32>
        %select_n3A_690 = arith.select %eq3A_684, %broadcast_in_dim3A_688, %broadcast_in_dim3A_689 : vector<128x256xi1>, vector<128x256xf32>
        %add3A_691 = arith.addf %add3A_681, %select_n3A_690 : vector<128x256xf32>
        %slice3A_692 = vector.extract_strided_slice %concatenate3A_612 {offsets = [0, 7], sizes = [128, 1], strides = [1, 1]} : vector<128x8xi32> to vector<128x1xi32>
        %eq3A_693 = vector.broadcast %slice3A_692 : vector<128x1xi32> to vector<128x256xi32>
        %eq3A_694 = arith.cmpi eq, %iota3A_352, %eq3A_693 : vector<128x256xi32>
        %slice3A_695 = vector.extract_strided_slice %div3A_619 {offsets = [0, 7], sizes = [128, 1], strides = [1, 1]} : vector<128x8xf32> to vector<128x1xf32>
        %jit3A_696 = arith.constant 0.000000e+00 : f32
        %broadcast_in_dim3A_697 = vector.shape_cast %slice3A_695 : vector<128x1xf32> to vector<128x1xf32>
        %broadcast_in_dim3A_698 = vector.broadcast %broadcast_in_dim3A_697 : vector<128x1xf32> to vector<128x256xf32>
        %broadcast_in_dim3A_699 = vector.broadcast %jit3A_696 : f32 to vector<128x256xf32>
        %select_n3A_700 = arith.select %eq3A_694, %broadcast_in_dim3A_698, %broadcast_in_dim3A_699 : vector<128x256xi1>, vector<128x256xf32>
        %add3A_701 = arith.addf %add3A_691, %select_n3A_700 : vector<128x256xf32>
        %slice3A_702 = vector.extract_strided_slice %add3A_701 {offsets = [0, 0], sizes = [64, 256], strides = [1, 1]} : vector<128x256xf32> to vector<64x256xf32>
        %transpose3A = tpu.transpose %slice3A_702, [1, 0] : vector<64x256xf32> -> vector<256x64xf32>
        %dot_general3A_703 = arith.constant dense<0.000000e+00> : vector<1024x64xf32>
        %dot_general3A_704 = tpu.matmul %get3A_382, %transpose3A, %dot_general3A_703 {dimension_numbers = #tpu.dot_dimension_numbers<[1], [0], [0], [1], [0, 0, 1, 1], [], []>, transpose_lhs_hint = false} : vector<1024x256xf32>, vector<256x64xf32>, vector<1024x64xf32> -> vector<1024x64xf32>
        %mul3A_705 = arith.mulf %dot_general3A_704, %convert_element_type3A_315 : vector<1024x64xf32>
        %reduce_sum3A_706 = arith.constant dense<0.000000e+00> : vector<1024xf32>
        %reduce_sum3A_707 = vector.multi_reduction <add>, %mul3A_705, %reduce_sum3A_706 [1] : vector<1024x64xf32> to vector<1024xf32>
        %broadcast_in_dim3A_708 = vector.shape_cast %reduce_sum3A_707 : vector<1024xf32> to vector<1024x1xf32>
        %mul3A_709 = vector.broadcast %broadcast_in_dim3A_708 : vector<1024x1xf32> to vector<1024x64xf32>
        %mul3A_710 = arith.mulf %mul3A_709, %convert_element_type3A_194 : vector<1024x64xf32>
        %dot_general3A_711 = arith.constant dense<0.000000e+00> : vector<16x64xf32>
        %dot_general3A_712 = tpu.matmul %convert_element_type3A_168, %mul3A_710, %dot_general3A_711 {dimension_numbers = #tpu.dot_dimension_numbers<[1], [0], [0], [1], [0, 0, 1, 1], [], []>, transpose_lhs_hint = false} : vector<16x1024xf32>, vector<1024x64xf32>, vector<16x64xf32> -> vector<16x64xf32>
        %slice3A_713 = vector.extract_strided_slice %add3A_701 {offsets = [64, 0], sizes = [64, 256], strides = [1, 1]} : vector<128x256xf32> to vector<64x256xf32>
        %dot_general3A_714 = arith.constant dense<0.000000e+00> : vector<1024x256xf32>
        %dot_general3A_715 = tpu.matmul %convert_element_type3A_315, %slice3A_713, %dot_general3A_714 {dimension_numbers = #tpu.dot_dimension_numbers<[1], [0], [0], [1], [0, 0, 1, 1], [], []>, transpose_lhs_hint = false} : vector<1024x64xf32>, vector<64x256xf32>, vector<1024x256xf32> -> vector<1024x256xf32>
        %mul3A_716 = vector.broadcast %slice3A_459 : vector<1024x1xf32> to vector<1024x256xf32>
        %mul3A_717 = arith.mulf %get3A_382, %mul3A_716 : vector<1024x256xf32>
        %sub3A_718 = vector.broadcast %slice3A_458 : vector<1024x1xf32> to vector<1024x256xf32>
        %sub3A_719 = arith.subf %sub3A_718, %mul3A_717 : vector<1024x256xf32>
        %mul3A_720 = arith.mulf %dot_general3A_715, %sub3A_719 : vector<1024x256xf32>
        %add3A_721 = arith.addf %get3A_382, %mul3A_720 : vector<1024x256xf32>
        %swap3A_722 = arith.constant 0 : index
        %swap3A_723 = arith.constant 0 : index
        %swap3A_724 = vector.load %arg13[%swap3A_722, %swap3A_723] : memref<1024x256xf32, #tpu.memory_space<vmem>>, vector<1024x256xf32>
        tpu.vector_store %arg13[%swap3A_722, %swap3A_723], %add3A_721 {strides = array<i32>} : memref<1024x256xf32, #tpu.memory_space<vmem>>, vector<1024x256xf32>,
        %swap3A_725 = arith.index_cast %scan3A_376 : i32 to index
        %swap3A_726 = arith.constant 0 : index
        %swap3A_727 = arith.constant 0 : index
        %swap3A_728 = vector.load %arg12[%swap3A_725, %swap3A_726, %swap3A_727] : memref<20x16x256xf32, #tpu.memory_space<vmem>>, vector<1x16x256xf32>
        %swap3A_729 = vector.shape_cast %swap3A_728 : vector<1x16x256xf32> to vector<16x256xf32>
        %swap3A_730 = vector.shape_cast %mul3A_421 : vector<16x256xf32> to vector<1x16x256xf32>
        tpu.vector_store %arg12[%swap3A_725, %swap3A_726, %swap3A_727], %swap3A_730 {strides = array<i32>} : memref<20x16x256xf32, #tpu.memory_space<vmem>>, vector<1x16x256xf32>,
        scf.yield %mul3A_421, %add3A_419, %dot_general3A_712 : vector<16x256xf32>, vector<16x256xf32>, vector<16x64xf32>
      }
      %scan3A_367 = arith.constant 20 : i32
      %get3A_368 = arith.constant 0 : index
      %get3A_369 = arith.constant 0 : index
      %get3A_370 = arith.constant 0 : index
      %get3A_371 = vector.load %arg12[%get3A_368, %get3A_369, %get3A_370] : memref<20x16x256xf32, #tpu.memory_space<vmem>>, vector<20x16x256xf32>
      %reshape3A = vector.shape_cast %get3A_371 : vector<20x16x256xf32> to vector<320x256xf32>
      %convert_element_type3A_372 = arith.truncf %reshape3A : vector<320x256xf32> to vector<320x256xbf16>
      %swap3A_373 = arith.constant 0 : index
      %swap3A_374 = arith.constant 0 : index
      %swap3A_375 = vector.load %arg14[%swap3A_373, %swap3A_374] : memref<320x256xbf16, #tpu.memory_space<vmem>>, vector<320x256xbf16>
      tpu.vector_store %arg14[%swap3A_373, %swap3A_374], %convert_element_type3A_372 {strides = array<i32>} : memref<320x256xbf16, #tpu.memory_space<vmem>>, vector<320x256xbf16>,
    } else {
    }
    %get3A = arith.constant 0 : index
    %get3A_2 = arith.constant 0 : index
    %get3A_3 = vector.load %arg14[%get3A, %get3A_2] : memref<320x256xbf16, #tpu.memory_space<vmem>>, vector<320x256xbf16>
    %get3A_4 = arith.constant 0 : index
    %get3A_5 = arith.constant 0 : index
    %get3A_6 = vector.load %arg9[%get3A_4, %get3A_5] : memref<256x10240xf32, #tpu.memory_space<vmem>>, vector<256x10240xf32>
    %convert_element_type3A_7 = arith.truncf %get3A_6 : vector<256x10240xf32> to vector<256x10240xbf16>
    %dot_general3A = arith.constant dense<0.000000e+00> : vector<320x10240xf32>
    %dot_general3A_8 = tpu.matmul %get3A_3, %convert_element_type3A_7, %dot_general3A {dimension_numbers = #tpu.dot_dimension_numbers<[1], [0], [0], [1], [0, 0, 1, 1], [], []>, transpose_lhs_hint = false} : vector<320x256xbf16>, vector<256x10240xbf16>, vector<320x10240xf32> -> vector<320x10240xf32>
    %get3A_9 = arith.constant 0 : index
    %get3A_10 = arith.constant 0 : index
    %get3A_11 = vector.load %arg10[%get3A_9, %get3A_10] : memref<1x10240xf32, #tpu.memory_space<vmem>>, vector<1x10240xf32>
    %add3A = vector.broadcast %get3A_11 : vector<1x10240xf32> to vector<320x10240xf32>
    %add3A_12 = arith.addf %dot_general3A_8, %add3A : vector<320x10240xf32>
    %swap3A = arith.constant 0 : index
    %swap3A_13 = arith.constant 0 : index
    %swap3A_14 = vector.load %arg11[%swap3A, %swap3A_13] : memref<320x10240xf32, #tpu.memory_space<vmem>>, vector<320x10240xf32>
    tpu.vector_store %arg11[%swap3A, %swap3A_13], %add3A_12 {strides = array<i32>} : memref<320x10240xf32, #tpu.memory_space<vmem>>, vector<320x10240xf32>,
    return
  }
  func.func @transform_0(%arg0: i32) -> (i32, i32) {
    %c0_i32 = arith.constant 0 : i32
    %c0_i32_0 = arith.constant 0 : i32
    %c0_i32_1 = arith.constant 0 : i32
    return %c0_i32, %c0_i32_0 : i32, i32
  }
  func.func @transform_1(%arg0: i32) -> (i32, i32) {
    %c0_i32 = arith.constant 0 : i32
    %c0_i32_0 = arith.constant 0 : i32
    %c0_i32_1 = arith.constant 0 : i32
    return %c0_i32, %c0_i32_0 : i32, i32
  }
  func.func @transform_2(%arg0: i32) -> (i32, i32) {
    %c0_i32 = arith.constant 0 : i32
    %c0_i32_0 = arith.constant 0 : i32
    %c0_i32_1 = arith.constant 0 : i32
    return %c0_i32, %c0_i32_0 : i32, i32
  }
  func.func @transform_3(%arg0: i32) -> (i32, i32) {
    %c0_i32 = arith.constant 0 : i32
    %c0_i32_0 = arith.constant 0 : i32
    %c0_i32_1 = arith.constant 0 : i32
    return %c0_i32, %c0_i32_0 : i32, i32
  }
  func.func @transform_4(%arg0: i32) -> (i32, i32) {
    %c0_i32 = arith.constant 0 : i32
    %c0_i32_0 = arith.constant 0 : i32
    %c0_i32_1 = arith.constant 0 : i32
    return %c0_i32, %c0_i32_0 : i32, i32
  }
  func.func @transform_5(%arg0: i32) -> (i32, i32) {
    %c0_i32 = arith.constant 0 : i32
    %c0_i32_0 = arith.constant 0 : i32
    %c0_i32_1 = arith.constant 0 : i32
    return %c0_i32, %c0_i32_0 : i32, i32
  }
  func.func @transform_6(%arg0: i32) -> (i32, i32) {
    %c0_i32 = arith.constant 0 : i32
    %c0_i32_0 = arith.constant 0 : i32
    %c0_i32_1 = arith.constant 0 : i32
    return %c0_i32, %c0_i32_0 : i32, i32
  }
  func.func @transform_7(%arg0: i32) -> (i32, i32) {
    %c0_i32 = arith.constant 0 : i32
    %c0_i32_0 = arith.constant 0 : i32
    %c0_i32_1 = arith.constant 0 : i32
    return %c0_i32, %c0_i32_0 : i32, i32
  }
  func.func @transform_8(%arg0: i32) -> (i32, i32) {
    %c0_i32 = arith.constant 0 : i32
    %c0_i32_0 = arith.constant 0 : i32
    return %c0_i32, %arg0 : i32, i32
  }
  func.func @transform_9(%arg0: i32) -> (i32, i32) {
    %c0_i32 = arith.constant 0 : i32
    %c0_i32_0 = arith.constant 0 : i32
    return %c0_i32, %arg0 : i32, i32
  }
  func.func @transform_10(%arg0: i32) -> (i32, i32) {
    %c0_i32 = arith.constant 0 : i32
    %c0_i32_0 = arith.constant 0 : i32
    return %c0_i32, %arg0 : i32, i32
  }
}

</mosaic_0001>

<sc_bundles>
// kernel: kernel.4.cloned.1.call-start
scs
__scs_entry_jumppad:
0x0: {  	(pc) =	sbr.rel $0x88, $3  }
0x1: {  	(tag) =	ssettag $0x0;
	lr =	simm.s32 $0x1  }
0x2: {  	[smem:$0x3F96] =	sst lr;
	_ =	strace $0xD0000000  }
0x3: {  	_ = 	snop  }
0x4: {  	_ = 	snop  }
0x5: {  	_ = 	snop  }
0x6: {  	_ = 	snop  }
0x7: {  	_ = 	snop  }
__scs_overlays_trampoline_lowered:
0x8: {  	[smem:$0x3FA5] =	sst s0  }
0x9: {  	[smem:$0x3FA6] =	sst s1  }
0xa: {  	[smem:$0x3FA7] =	sst s2  }
0xb: {  	[smem:$0x3FA8] =	sst s3  }
0xc: {  	[smem:$0x3FA9] =	sst s4  }
0xd: {  	[smem:$0x3FAA] =	sst s5  }
0xe: {  	[smem:$0x3FAB] =	sst s6  }
0xf: {  	[smem:$0x3FAC] =	sst s7  }
0x10: {  	[smem:$0x3FAD] =	sst s8  }
0x11: {  	[smem:$0x3FAE] =	sst s9;
	s0 =	simm.s32 @!p0 $0x0  }
0x12: {  	s1 =	sld [smem:$0x3F94];
	s0 =	simm.s32 @p0 $0x1  }
0x13: {  	[smem:$0x3FAF] =	sst s0;
	s0 =	simm.s32 @!p1 $0x0  }
0x14: {  	s2 =	sld [smem:$0x3F93];
	s0 =	simm.s32 @p1 $0x1  }
0x15: {  	[smem:$0x3FB0] =	sst s0;
	s0 =	simm.s32 @!p2 $0x0  }
0x16: {  	s3 =	sld [smem:$0x3FDB];
	s0 =	simm.s32 @p2 $0x1  }
0x17: {  	s4 =	simm.s32 $0x1BF5;
	[smem:$0x3FB2] =	sst s0  }
0x18: {  	s0 =	sld [smem:$0x3F95];
	_ =	swait.ge [sflag:s4], $0x0  }
0x19: {  	s7 =	sld [smem:$0x3F96]  }
0x1a: {  	s8 =	sadd.s32 $0xFFFFE003, lr  }
0x1b: {  	s9 =	sadd.s32 $0xFFFFFEF7, lr;
	s5 =	simm.s32 $0xFFFFFFFF;
	p2 =	slt.u32 s8, $0xFFFFF086  }
0x1c: {  	p1 =	slt.u32 s9, $0xF7A;
	s5 =	simm.s32 @!p2 $0x0  }
0x1d: {  	s5 =	simm.s32 @p1 $0x1;
	p0 =	seq.s32 s7, s2  }
0x1e: {  	s7 =	smul.u32 @!p0 $0xF7A, s2;
	p2 =	seq.s32 @!p0 s5, $0x0  }
0x1f: {  	s9 =	smul.u32 $0xF7A, s1;
	s8 =	simm.s32 @!p0 $0x1BF5;
	p2 =	por !p2, p0  }
0x20: {  	[sflag:s8] =	ssyncset.s32 @!p0 $0xFFFFF086;
	s6 =	sadd.s32 @!p0 s3, s7;
	s7 =	simm.s32 @!p0 $0x108  }
0x21: {  	s3 =	sadd.s32 s3, s9;
	s6 =	sadd.s32 @!p0 $0x88, s6;
	s7 =	simm.s32 @p2 $0x1082  }
0x22: {  	[simem:s7], [sflag:s8] =	dma.local @!p0 [hbm:s6], $0xF7A  }
0x23: {  	s9 =	sor.u32 $0xD0000000, s2;
	s6 =	simm.s32 $0x108;
	_ =	swait.ge @!p0 [sflag:s8], $0x0  }
0x24: {  	s3 =	sadd.s32 $0x88, s3;
	s6 =	simm.s32 @!p1 $0x1082;
	[sflag:s4] =	ssyncset.s32 $0xFFFFF086  }
0x25: {  	[simem:s6], [sflag:s4] =	dma.local [hbm:s3], $0xF7A  }
0x26: {  	[smem:$0x3F96] =	sst s1;
	(tag) =	ssettag s2;
	_ =	strace s9  }
0x27: {  	s1 =	sld [smem:$0x3FA6]  }
0x28: {  	s2 =	sld [smem:$0x3FA7]  }
0x29: {  	s4 =	sld [smem:$0x3FA9]  }
0x2a: {  	p0 =	seq.s32 s5, $0x0;
	s5 =	sld [smem:$0x3FAA]  }
0x2b: {  	s6 =	sld [smem:$0x3FAB]  }
0x2c: {  	s7 =	sld [smem:$0x3FAC]  }
0x2d: {  	s3 =	simm.s32 $0x108;
	s8 =	sld [smem:$0x3FAD]  }
0x2e: {  	s3 =	simm.s32 @!p0 $0x1082;
	s9 =	sld [smem:$0x3FAE]  }
0x2f: {  	lr =	sadd.s32 s0, s3;
	s0 =	sld [smem:$0x3FA5]  }
0x30: {  	s3 =	sld [smem:$0x3FA8]  }
0x31: {  	[smem:$0x3FB1] =	sst s10  }
0x32: {  	s10 =	sld [smem:$0x3FAF];
	_ =	sdelay $0x3  }
0x33: {  	p0 =	seq.s32 s10, $0x1;
	s10 =	sld [smem:$0x3FB1];
	_ =	sdelay $0x3  }
0x34: {  	[smem:$0x3FB1] =	sst s10  }
0x35: {  	s10 =	sld [smem:$0x3FB0];
	_ =	sdelay $0x3  }
0x36: {  	p1 =	seq.s32 s10, $0x1;
	s10 =	sld [smem:$0x3FB1];
	_ =	sdelay $0x3  }
0x37: {  	[smem:$0x3FB1] =	sst s10  }
0x38: {  	s10 =	sld [smem:$0x3FB2]  }
0x39: {  	_ = 	snop;
	(pc) =	sbr.ind lr, $3  }
0x3a: {  	_ = 	snop  }
0x3b: {  	_ = 	snop  }
0x3c: {  	p2 =	seq.s32 s10, $0x1;
	s10 =	sld [smem:$0x3FB1]  }
0x3d: {  	_ =	shalt  }
0x3e: {  	_ =	shalt  }
0x3f: {  	_ =	shalt  }
0x40: {  	_ =	shalt  }
0x41: {  	_ =	shalt  }
0x42: {  	_ =	shalt  }
0x43: {  	_ =	shalt  }
0x44: {  	_ =	shalt  }
0x45: {  	_ =	shalt  }
0x46: {  	_ =	shalt  }
0x47: {  	_ =	shalt  }
0x48: {  	_ =	shalt  }
0x49: {  	_ =	shalt  }
0x4a: {  	_ =	shalt  }
0x4b: {  	_ =	shalt  }
0x4c: {  	_ =	shalt  }
0x4d: {  	_ =	shalt  }
0x4e: {  	_ =	shalt  }
0x4f: {  	_ =	shalt  }
0x50: {  	_ =	shalt  }
0x51: {  	_ =	shalt  }
0x52: {  	_ =	shalt  }
0x53: {  	_ =	shalt  }
0x54: {  	_ =	shalt  }
0x55: {  	_ =	shalt  }
0x56: {  	_ =	shalt  }
0x57: {  	_ =	shalt  }
0x58: {  	_ =	shalt  }
0x59: {  	_ =	shalt  }
0x5a: {  	_ =	shalt  }
0x5b: {  	_ =	shalt  }
0x5c: {  	_ =	shalt  }
0x5d: {  	_ =	shalt  }
0x5e: {  	_ =	shalt  }
0x5f: {  	_ =	shalt  }
0x60: {  	_ =	shalt  }
0x61: {  	_ =	shalt  }
0x62: {  	_ =	shalt  }
0x63: {  	_ =	shalt  }
0x64: {  	_ =	shalt  }
0x65: {  	_ =	shalt  }
0x66: {  	_ =	shalt  }
0x67: {  	_ =	shalt  }
0x68: {  	_ =	shalt  }
0x69: {  	_ =	shalt  }
0x6a: {  	_ =	shalt  }
0x6b: {  	_ =	shalt  }
0x6c: {  	_ =	shalt  }
0x6d: {  	_ =	shalt  }
0x6e: {  	_ =	shalt  }
0x6f: {  	_ =	shalt  }
0x70: {  	_ =	shalt  }
0x71: {  	_ =	shalt  }
0x72: {  	_ =	shalt  }
0x73: {  	_ =	shalt  }
0x74: {  	_ =	shalt  }
0x75: {  	_ =	shalt  }
0x76: {  	_ =	shalt  }
0x77: {  	_ =	shalt  }
0x78: {  	_ =	shalt  }
0x79: {  	_ =	shalt  }
0x7a: {  	_ =	shalt  }
0x7b: {  	_ =	shalt  }
0x7c: {  	_ =	shalt  }
0x7d: {  	_ =	shalt  }
0x7e: {  	_ =	shalt  }
0x7f: {  	_ =	shalt  }
0x80: {  	_ =	shalt  }
0x81: {  	_ =	shalt  }
0x82: {  	_ =	shalt  }
0x83: {  	_ =	shalt  }
0x84: {  	_ =	shalt  }
0x85: {  	_ =	shalt  }
0x86: {  	_ =	shalt  }
0x87: {  	_ =	shalt  }
.Lfunc_end0:
.L_simem_size_0:
called_computation_lowered:
.L_overlay_start_0:
0x88: {  	s2 =	sld [smem:$0x3FD9]  }
0x89: {  	s3 =	sld [smem:$0x3FFE];
	_ =	sdelay $0x1  }
0x8a: {  	s1 =	srdreg.scid  }
0x8b: {  	s0 =	sand.u32 $0x1, s1  }
0x8c: {  	s17 =	sshll.u32 s0, $0xA;
	s2 =	sadd.s32 s3, s2  }
0x8d: {  	s2 =	sadd.s32 s2, s17  }
0x8e: {  	[smem:$0x3FBD] =	sst s2  }
0x8f: {  	_ = 	snop  }
0x90: {  	s2 =	sld [smem:$0x3FD0];
	(tm) =	ssettm $0x1  }
0x91: {  	s18 =	sld [smem:$0x3FFB];
	_ =	sdelay $0x3  }
0x92: {  	_ =	strace s18  }
0x93: {  	s3 =	sld [smem:$0x3FFC];
	_ =	sdelay $0x3  }
0x94: {  	_ =	strace s3  }
0x95: {  	s3 =	sld [smem:$0x3FFD];
	_ =	sdelay $0x3  }
0x96: {  	_ =	strace s3  }
0x97: {  	_ =	strace $0x8FFFFFFF  }
0x98: {  	s19 =	sld [smem:$0x3FDB];
	_ =	sdelay $0x1  }
0x99: {  	s4 =	simm.s32 $_scs_section_size  }
0x9a: {  	s5 =	simm.s32 $_size__tile_overlayer_lowered;
	s6 =	simm.s32 $_tile_overlayer_lowered  }
0x9b: {  	s22 =	simm.s32 $0x1BFF;
	s21 =	sshll.u32 s6, $0x1;
	s3 =	sadd.s32 s4, s19  }
0x9c: {  	s7 =	simm.s32 $0x0;
	s20 =	sshll.u32 s5, $0x1;
	s5 =	sadd.s32 s21, s3  }
0x9d: {  	[timem:s7], [sflag:s22] =	dma.local [hbm:s5], s20  }
0x9e: {  	_ =	swait.ge [sflag:s22], s20  }
0x9f: {  	s4 =	ssub.s32 $0x0, s20;
	[sflag:s22] =	ssyncset.done $0x0  }
0xa0: {  	[sflag:s22] =	ssyncadd.s32 s4;
	_ =	sdelay $0x1  }
0xa1: {  	s23 =	simm.s32 $0x1B8B  }
0xa2: {  	_ =	swait.ge [sflag:s23], $0x1  }
0xa3: {  	[sflag:s23] =	ssyncset.done $0x0  }
0xa4: {  	s25 =	simm.s32 $0x1B8E;
	s24 =	sld [smem:$0x3FFE];
	[sflag:s23] =	ssyncadd.s32 $0xFFFFFFFF  }
0xa5: {  	s26 =	simm.s32 $execute0_lowered;
	[smem:$0x3FD2] =	sst s25  }
0xa6: {  	s5 =	sshll.u32 s26, $0x1;
	_ =	strace $0x80000046;
	[dreg:$0x1] =	wrdreg $0xFFFFFFFF  }
0xa7: {  	s28 =	simm.s32 $_size_execute0_lowered;
	s3 =	sadd.s32 s3, s5;
	[dreg:$0x0] =	wrdreg $0x0  }
0xa8: {  	s5 =	sshll.u32 s28, $0x1;
	[dreg:$0x2] =	wrdreg s3  }
0xa9: {  	[dreg:$0x3] =	wrdreg s5  }
0xaa: {  	[dreg:$0x4] =	wrdreg $0xC0  }
0xab: {  	_ =	task [dreg:s7], $0x5FFFF  }
0xac: {  	[dreg:$0x1] =	wrdreg $0xFFFFFFFF  }
0xad: {  	[dreg:$0x0] =	wrdreg $0x60  }
0xae: {  	[dreg:$0x2] =	wrdreg s24  }
0xaf: {  	[dreg:$0x3] =	wrdreg s2  }
0xb0: {  	[dreg:$0x4] =	wrdreg $0x9  }
0xb1: {  	_ =	task.clear_ibuf [dreg:s7], $0x5FFFF;
	_ =	strace $0x90000046  }
0xb2: {  	s29 =	simm.s32 $0x9;
	_ =	strace $0x80000048  }
0xb3: {  	_ =	swait.ge [sflag:s29], $0x1  }
0xb4: {  	[sflag:s29] =	ssyncadd.s32 $0xFFFFFFFF  }
0xb5: {  	_ =	strace $0x90000048  }
0xb6: {  	_ =	sfence  }
0xb7: {  	s30 =	sld [smem:$0x0];
	_ =	sdelay $0x2  }
0xb8: {  	s31 =	sshll.u32 s1, $0xD;
	s1 =	sshrl.u32 s1, $0x2  }
0xb9: {  	s3 =	sand.u32 $0x4000, s31;
	s1 =	sadd.s32 s1, s30  }
0xba: {  	s0 =	sor.u32 s3, s0;
	s1 =	sshll.u32 s1, $0x11  }
0xbb: {  	s0 =	sor.u32 s1, s0  }
0xbc: {  	s0 =	sadd.s32 $0x8F2B, s0  }
0xbd: {  	[sflag:s0] =	ssyncadd.remote.s32 $0x1  }
0xbe: {  	_ =	sfence.sel $0xFFFF  }
0xbf: {  	[dreg:$0x0] =	wrdreg $0xFFFFFFFF;
	(pc) =	sbr.abs _section_cstart, $3  }
0xc0: {  	[dreg:$0x1] =	wrdreg $0xFFFFFFFF  }
0xc1: {  	_ =	task.clear_ibuf [dreg:s7], $0x2FFFF;
	_ =	strace $0x9FFFFFFF  }
0xc2: {  	(tm) =	ssettm $0x7FFFFFFF  }
0xc3: {  	_ =	shalt  }
tec
execute0_lowered:
.L_overlay_start_1:
0x0: {  	(tag) =	ssettag $0x1  }
0x1: {  	s1 =	srdreg.scid  }
0x2: {  	s0 =	stileid.u32;
	s6 =	sand.u32 $0x1, s1  }
0x3: {  	s5 =	rddreg [dreg:$0x0];
	s30 =	sshll.u32 s0, $0x5;
	s2 =	sshll.u32 s6, $0x4  }
0x4: {  	s8 =	rddreg [dreg:$0x1];
	s9 =	sor.u32 s2, s30  }
0x5: {  	s1 =	rddreg [dreg:$0x2];
	s2 =	simm.s32 $0x0;
	s3 =	sshrl.u32 s9, $0x3  }
0x6: {  	s10 =	ssub.s32 $0x2, s6;
	[smem:$0x7FF] =	sst s2;
	s3 =	sadd.s32 s3, s5  }
0x7: {  	_ =	strace $0x80000047;
	s4 =	sadd.s32 $0xC4000, s3;
	s3 =	simm.s32 $0x2  }
0x8: {  	[tilespmem:s2], [sflag:$0x2] =	stream.linear.gather [hbm4b:s4+s2], $0x10, $0x38;
	[tilespmem:$0x410] =	vst v63  }
0x9: {  	s7 =	simm.s32 $0x1;
	s11 =	sshrl.u32 s10, $0x1;
	_ =	swait.ge [sflag:s3], $0x10  }
0xa: {  	s6 =	simm.s32 $0x10;
	s10 =	ssub.s32 s10, s11;
	[sflag:s3] =	ssyncset.done $0x0  }
0xb: {  	s5 =	sadd.s32 $0xA00, s5;
	s31 =	smax.u32 s10, $0x1;
	[sflag:s3] =	ssyncadd.s32 $0xFFFFFFF0  }
0xc: {  	[tilespmem:s6], [sflag:$0x1] =	stream.indirect.gather [hbm4b:s5+s6], $0x40, s2, s6, $0xb8;
	[tilespmem:$0x410] =	vst v63  }
0xd: {  	p0 =	sne.s32 s31, $0x1;
	_ =	swait.ge [sflag:s7], $0x400  }
.Ltmp0:
0xe: {  	s9 =	sshll.u32 s9, $0x3;
	[sflag:s7] =	ssyncset.done $0x0;
	(pc) =	sbr.rel @!p0 .LBB2_2-.Ltmp0, $4  }
0xf: {  	s8 =	sadd.s32 s8, s9;
	[sflag:s7] =	ssyncadd.s32 $0xFFFFFC00  }
0x10: {  	[hbm4b:s8+s2] =	stream.linear.scatter [tilespmem:s6], [sflag:$0x2], $0x400, $0x38;
	[tilespmem:$0x410] =	vst v63  }
0x11: {  	_ =	swait.ge [sflag:s3], $0x400  }
0x12: {  	s9 =	sadd.s32 $0xFFFFFFFF, s31;
	[sflag:s3] =	ssyncset.done $0x0  }
.LBB2_1:
0x13: {  	p0 =	sne.s32 s9, $0x1;
	s9 =	sadd.s32 $0xFFFFFFFF, s9;
	[sflag:s3] =	ssyncadd.s32 $0xFFFFFC00  }
0x14: {  	[tilespmem:s2], [sflag:$0x2] =	stream.linear.gather [hbm4b:s4+s2], $0x10, $0x38;
	[tilespmem:$0x410] =	vst v63  }
0x15: {  	_ =	swait.ge [sflag:s3], $0x10  }
0x16: {  	[sflag:s3] =	ssyncset.done $0x0  }
0x17: {  	[sflag:s3] =	ssyncadd.s32 $0xFFFFFFF0  }
0x18: {  	[tilespmem:s6], [sflag:$0x1] =	stream.indirect.gather [hbm4b:s5+s6], $0x40, s2, s6, $0xb8;
	[tilespmem:$0x410] =	vst v63  }
0x19: {  	_ =	swait.ge [sflag:s7], $0x400  }
.Ltmp1:
0x1a: {  	[sflag:s7] =	ssyncset.done $0x0;
	(pc) =	sbr.rel @p0 .LBB2_1-.Ltmp1, $4  }
0x1b: {  	[sflag:s7] =	ssyncadd.s32 $0xFFFFFC00  }
0x1c: {  	[hbm4b:s8+s2] =	stream.linear.scatter [tilespmem:s6], [sflag:$0x2], $0x400, $0x38;
	[tilespmem:$0x410] =	vst v63  }
0x1d: {  	_ =	swait.ge [sflag:s3], $0x400  }
0x1e: {  	[sflag:s3] =	ssyncset.done $0x0  }
.LBB2_2:
0x1f: {  	[sflag:s3] =	ssyncadd.s32 $0xFFFFFC00  }
0x20: {  	_ =	sfence.sel $0x180000  }
0x21: {  	[bflag:$0x0] =	sbarrier.arrive $0xFFFF  }
0x22: {  	p0 =	sne.s32 s0, $0x0;
	_ =	strace $0x90000047  }
0x23: {  	s0 =	sadd.s32 @!p0 $0x100000, s1;
	[bflag:$0x2] =	sbarrier.arrive $0xFFFF  }
0x24: {  	[sflag:s0] =	ssyncadd.tile.s32 @!p0 $0x1;
	_ =	shalt  }
.Lfunc_end2:
_tile_overlayer_lowered:
.L_overlay_start_2:
0x25: {  	(tag) =	ssettag $0x2  }
0x26: {  	s0 =	rddreg [dreg:$0x0];
	s2 =	stileid.u32  }
0x27: {  	s1 =	rddreg [dreg:$0x1];
	p0 =	sne.s32 s2, $0x0  }
0x28: {  	s3 =	rddreg [dreg:$0x2];
	[bflag:$0x3] =	sbarrier.arrive $0xFFFF;
	s2 =	simm.s32 @!p0 $0x1C02  }
0x29: {  	[timem:s3], [sflag:s2] =	dma.local @!p0 [hbm:s0], s1  }
0x2a: {  	s0 =	simm.s32 @!p0 $0x2  }
0x2b: {  	_ =	swait.ge @!p0 [sflag:s0], s1  }
0x2c: {  	s1 =	ssub.s32 @!p0 $0x0, s1;
	[sflag:s0] =	ssyncset.done @!p0 $0x0  }
0x2d: {  	[sflag:s0] =	ssyncadd.s32 @!p0 s1  }
0x2e: {  	[bflag:$0x3] =	sbarrier.arrive $0xFFFF  }
0x2f: {  	_ =	shalt  }

</sc_bundles>
